<compile_context>
chip_gen: v7x
topology: tpu7x:2x2x1
jax: 0.10.2.dev20260603
libtpu: 0.0.44.dev20260713+nightly
codegen_flags: <defaults>
</compile_context>

<pallas_src>
import functools

import jax
import jax.numpy as jnp
from jax import lax
from jax.experimental import pallas as pl
from jax.experimental.pallas import tpu as pltpu
from jax.experimental.pallas import tpu_sc as plsc


NBUF = 5


@functools.partial(jax.jit, static_argnames=("n", "d", "nw", "b_per_w", "c"))
def _gather_rows(idx, table, n, d, nw, b_per_w, c):
    n_chunks = b_per_w // c
    mesh = plsc.VectorSubcoreMesh(core_axis_name="c", subcore_axis_name="s")

    @functools.partial(
        pl.kernel,
        mesh=mesh,
        out_type=jax.ShapeDtypeStruct((n, d), jnp.float32),
        scratch_types=[
            pltpu.VMEM((b_per_w,), jnp.int32),
            pltpu.VMEM((NBUF, c, d), jnp.float32),
            pltpu.SemaphoreType.DMA((NBUF,)),
            pltpu.SemaphoreType.DMA((NBUF,)),
        ],
    )
    def k(idx_hbm, table_hbm, out_hbm, idx_v, rows_v, gsem, ssem):
        nc = plsc.get_sparse_core_info().num_cores
        wid = lax.axis_index("s") * nc + lax.axis_index("c")
        base = wid * b_per_w
        s_len = idx_hbm.shape[1]
        w_per_row = s_len // b_per_w
        pltpu.sync_copy(
            idx_hbm.at[wid // w_per_row,
                       pl.ds(lax.rem(wid, w_per_row) * b_per_w, b_per_w)],
            idx_v,
        )

        for b in range(NBUF):
            pltpu.async_copy(
                table_hbm.at[idx_v.at[pl.ds(b * c, c)]], rows_v.at[b], gsem.at[b]
            )

        def body(i, _):
            b = lax.rem(i, NBUF)
            pltpu.make_async_copy(
                table_hbm.at[pl.ds(0, c)], rows_v.at[b], gsem.at[b]
            ).wait()
            store = pltpu.async_copy(
                rows_v.at[b], out_hbm.at[pl.ds(base + i * c, c)], ssem.at[b]
            )

            @pl.when(i + NBUF < n_chunks)
            def _():
                store.wait()
                pltpu.async_copy(
                    table_hbm.at[idx_v.at[pl.ds((i + NBUF) * c, c)]],
                    rows_v.at[b],
                    gsem.at[b],
                )

            return None

        lax.fori_loop(0, n_chunks, body, None)
        for b in range(NBUF):
            pltpu.make_async_copy(
                table_hbm.at[pl.ds(0, c)], rows_v.at[b], ssem.at[b]
            ).wait()

    return k(idx, table)


def kernel(tokens, W_E):
    b, s = tokens.shape
    v, d = W_E.shape
    n = b * s
    info = plsc.get_sparse_core_info()
    nw = info.num_cores * info.num_subcores
    assert n % nw == 0
    b_per_w = n // nw
    c = 32
    while b_per_w % c:
        c //= 2
    out = _gather_rows(tokens.astype(jnp.int32), W_E, n, d, nw, b_per_w, c)
    return out.reshape(b, s, d)

# --- scband reference (transcript-rebuilt; emitter-appended) ---
"""Pipeline reference for scband-embed-46780783788292 (READ-ONLY COPY).

The authoritative reference and input builder live on the scoring server;
editing this copy changes nothing except your own understanding.
"""

import jax, jax.numpy as jnp
import numpy as np

D_VOCAB = 50257
D_MODEL = 768
B = 4
S = 8192
INIT_RANGE = 0.02


def setup_inputs(seed: int = 0) -> dict:
    key = jax.random.key(seed)
    k_tok, k_w = jax.random.split(key)
    tokens = jax.random.randint(k_tok, (B, S), 0, D_VOCAB, dtype=jnp.int64 if jax.config.read('jax_enable_x64') else jnp.int32)
    W_E = jax.random.normal(k_w, (D_VOCAB, D_MODEL), dtype=jnp.float32) * INIT_RANGE
    return {"tokens": tokens, "W_E": W_E}


def reference(tokens, W_E):
    # embed = W_E[tokens, :]
    embed = jnp.take(W_E, tokens, axis=0)
    return embed

if __name__ == "__main__":
    import jax
    _d = setup_inputs()
    print(jax.jit(kernel)(*tuple(_d.values())))

</pallas_src>

<mosaic_0001>
#map = affine_map<(d0, d1) -> (0, 0)>
module attributes {stable_mosaic.version = 14 : i64} {
  func.func @k(%arg0: i32, %arg1: i32, %arg2: memref<4x8192xi32, #tpu.memory_space<hbm>>, %arg3: memref<50257x768xf32, #tpu.memory_space<hbm>>, %arg4: memref<32768x768xf32, #tpu.memory_space<hbm>>, %arg5: memref<1024xi32, #tpu.memory_space<vmem>>, %arg6: memref<5x32x768xf32, #tpu.memory_space<vmem>>, %arg7: memref<5x!tpu.dma_semaphore, #tpu.memory_space<semaphore_mem>>, %arg8: memref<5x!tpu.dma_semaphore, #tpu.memory_space<semaphore_mem>>) attributes {dimension_semantics = [#tpu.dimension_semantics<core_parallel>, #tpu.dimension_semantics<subcore_parallel>], iteration_bounds = array<i64: 2, 16>, scalar_prefetch = 0 : i64, scratch_operands = 4 : i64, tpu.core_type = #tpu.core_type<sc_vector_subcore>, window_params = [{transform_indices = #map}, {transform_indices = #map}, {transform_indices = #map}]} {
    %mul3A = arith.constant 2 : i32
    %mul3A_0 = arith.muli %arg1, %mul3A : i32
    %add3A = arith.addi %mul3A_0, %arg0 : i32
    %mul3A_1 = arith.constant 1024 : i32
    %mul3A_2 = arith.muli %add3A, %mul3A_1 : i32
    %jit3A = arith.constant 8 : i32
    %div3A = arith.divsi %add3A, %jit3A : i32
    %sign3A = arith.constant 0 : i32
    %sign3A_3 = arith.cmpi sgt, %add3A, %sign3A : i32
    %sign3A_4 = arith.extui %sign3A_3 : i1 to i32
    %sign3A_5 = arith.constant 0 : i32
    %sign3A_6 = arith.cmpi slt, %add3A, %sign3A_5 : i32
    %sign3A_7 = arith.extui %sign3A_6 : i1 to i32
    %sign3A_8 = arith.subi %sign3A_4, %sign3A_7 : i32
    %sign3A_9 = arith.constant 0 : i32
    %sign3A_10 = arith.cmpi sgt, %jit3A, %sign3A_9 : i32
    %sign3A_11 = arith.extui %sign3A_10 : i1 to i32
    %sign3A_12 = arith.constant 0 : i32
    %sign3A_13 = arith.cmpi slt, %jit3A, %sign3A_12 : i32
    %sign3A_14 = arith.extui %sign3A_13 : i1 to i32
    %sign3A_15 = arith.subi %sign3A_11, %sign3A_14 : i32
    %ne3A = arith.cmpi ne, %sign3A_8, %sign3A_15 : i32
    %rem3A = arith.remsi %add3A, %jit3A : i32
    %ne3A_16 = arith.constant 0 : i32
    %ne3A_17 = arith.cmpi ne, %rem3A, %ne3A_16 : i32
    %and3A = arith.andi %ne3A, %ne3A_17 : i1
    %sub3A = arith.constant 1 : i32
    %sub3A_18 = arith.subi %div3A, %sub3A : i32
    %select_n3A = arith.select %and3A, %sub3A_18, %div3A : i32
    %rem3A_19 = arith.constant 8 : i32
    %rem3A_20 = arith.remsi %add3A, %rem3A_19 : i32
    %mul3A_21 = arith.constant 1024 : i32
    %mul3A_22 = arith.muli %rem3A_20, %mul3A_21 : i32
    "tpu.region"() ({
      %run_scoped3A = tpu.sem_alloc : memref<!tpu.dma_semaphore, #tpu.memory_space<semaphore_mem>>
      %dma_start3A_180 = tpu.memref_slice %arg2[%select_n3A, %mul3A_22] : memref<4x8192xi32, #tpu.memory_space<hbm>> -> memref<1x1024xi32, #tpu.memory_space<hbm>>
      %dma_start3A_181 = tpu.memref_squeeze %dma_start3A_180 : memref<1x1024xi32, #tpu.memory_space<hbm>> -> memref<1024xi32, #tpu.memory_space<hbm>>
      %dma_start3A_182 = tpu.memref_slice %arg2[%select_n3A, %mul3A_22] : memref<4x8192xi32, #tpu.memory_space<hbm>> -> memref<1x1024xi32, #tpu.memory_space<hbm>>
      %dma_start3A_183 = tpu.memref_squeeze %dma_start3A_182 : memref<1x1024xi32, #tpu.memory_space<hbm>> -> memref<1024xi32, #tpu.memory_space<hbm>>
      tpu.enqueue_dma source(%dma_start3A_183 : memref<1024xi32, #tpu.memory_space<hbm>>) target(%arg5 : memref<1024xi32, #tpu.memory_space<vmem>>) target_semaphore(%run_scoped3A : memref<!tpu.dma_semaphore, #tpu.memory_space<semaphore_mem>>)
      %dma_wait3A_184 = tpu.memref_slice %arg2[%select_n3A, %mul3A_22] : memref<4x8192xi32, #tpu.memory_space<hbm>> -> memref<1x1024xi32, #tpu.memory_space<hbm>>
      %dma_wait3A_185 = tpu.memref_squeeze %dma_wait3A_184 : memref<1x1024xi32, #tpu.memory_space<hbm>> -> memref<1024xi32, #tpu.memory_space<hbm>>
      %dma_wait3A_186 = tpu.memref_slice %arg2[%select_n3A, %mul3A_22] : memref<4x8192xi32, #tpu.memory_space<hbm>> -> memref<1x1024xi32, #tpu.memory_space<hbm>>
      %dma_wait3A_187 = tpu.memref_squeeze %dma_wait3A_186 : memref<1x1024xi32, #tpu.memory_space<hbm>> -> memref<1024xi32, #tpu.memory_space<hbm>>
      tpu.wait_dma2 semaphore(%run_scoped3A : memref<!tpu.dma_semaphore, #tpu.memory_space<semaphore_mem>>) src(%dma_wait3A_187 : memref<1024xi32, #tpu.memory_space<hbm>>) dst(%arg5 : memref<1024xi32, #tpu.memory_space<vmem>>)
      tpu.yield
    }) : () -> ()
    %dma_start3A = arith.constant 0 : i32
    %dma_start3A_23 = arith.constant 0 : i32
    %dma_start3A_24 = arith.constant 0 : i32
    %dma_start3A_25 = arith.constant 0 : i32
    %dma_start3A_26 = tpu.memref_slice %arg6[%dma_start3A, %dma_start3A_24, %dma_start3A_25] : memref<5x32x768xf32, #tpu.memory_space<vmem>> -> memref<1x32x768xf32, #tpu.memory_space<vmem>>
    %dma_start3A_27 = tpu.memref_squeeze %dma_start3A_26 : memref<1x32x768xf32, #tpu.memory_space<vmem>> -> memref<32x768xf32, #tpu.memory_space<vmem>>
    %dma_start3A_28 = arith.constant 0 : i32
    %dma_start3A_29 = tpu.memref_slice %arg5[%dma_start3A_28] : memref<1024xi32, #tpu.memory_space<vmem>> -> memref<32xi32, #tpu.memory_space<vmem>>
    %dma_start3A_30 = arith.constant 0 : i32
    %dma_start3A_31 = arith.constant 0 : i32
    %dma_start3A_32 = tpu.memref_slice %arg3[%dma_start3A_30, %dma_start3A_31] : memref<50257x768xf32, #tpu.memory_space<hbm>> -> memref<50257x768xf32, #tpu.memory_space<hbm>>
    %dma_start3A_33 = tpu.memref_slice %arg7[%dma_start3A_23] : memref<5x!tpu.dma_semaphore, #tpu.memory_space<semaphore_mem>> -> memref<1x!tpu.dma_semaphore, #tpu.memory_space<semaphore_mem>>
    %dma_start3A_34 = tpu.memref_squeeze %dma_start3A_33 : memref<1x!tpu.dma_semaphore, #tpu.memory_space<semaphore_mem>> -> memref<!tpu.dma_semaphore, #tpu.memory_space<semaphore_mem>>
    tpu.enqueue_indirect_dma source(%dma_start3A_32 : memref<50257x768xf32, #tpu.memory_space<hbm>>) target(%dma_start3A_27 : memref<32x768xf32, #tpu.memory_space<vmem>>) offsets(%dma_start3A_29 : memref<32xi32, #tpu.memory_space<vmem>>) semaphore(%dma_start3A_34 : memref<!tpu.dma_semaphore, #tpu.memory_space<semaphore_mem>>)
    %dma_start3A_35 = arith.constant 1 : i32
    %dma_start3A_36 = arith.constant 1 : i32
    %dma_start3A_37 = arith.constant 0 : i32
    %dma_start3A_38 = arith.constant 0 : i32
    %dma_start3A_39 = tpu.memref_slice %arg6[%dma_start3A_35, %dma_start3A_37, %dma_start3A_38] : memref<5x32x768xf32, #tpu.memory_space<vmem>> -> memref<1x32x768xf32, #tpu.memory_space<vmem>>
    %dma_start3A_40 = tpu.memref_squeeze %dma_start3A_39 : memref<1x32x768xf32, #tpu.memory_space<vmem>> -> memref<32x768xf32, #tpu.memory_space<vmem>>
    %dma_start3A_41 = arith.constant 32 : i32
    %dma_start3A_42 = tpu.memref_slice %arg5[%dma_start3A_41] : memref<1024xi32, #tpu.memory_space<vmem>> -> memref<32xi32, #tpu.memory_space<vmem>>
    %dma_start3A_43 = arith.constant 0 : i32
    %dma_start3A_44 = arith.constant 0 : i32
    %dma_start3A_45 = tpu.memref_slice %arg3[%dma_start3A_43, %dma_start3A_44] : memref<50257x768xf32, #tpu.memory_space<hbm>> -> memref<50257x768xf32, #tpu.memory_space<hbm>>
    %dma_start3A_46 = tpu.memref_slice %arg7[%dma_start3A_36] : memref<5x!tpu.dma_semaphore, #tpu.memory_space<semaphore_mem>> -> memref<1x!tpu.dma_semaphore, #tpu.memory_space<semaphore_mem>>
    %dma_start3A_47 = tpu.memref_squeeze %dma_start3A_46 : memref<1x!tpu.dma_semaphore, #tpu.memory_space<semaphore_mem>> -> memref<!tpu.dma_semaphore, #tpu.memory_space<semaphore_mem>>
    tpu.enqueue_indirect_dma source(%dma_start3A_45 : memref<50257x768xf32, #tpu.memory_space<hbm>>) target(%dma_start3A_40 : memref<32x768xf32, #tpu.memory_space<vmem>>) offsets(%dma_start3A_42 : memref<32xi32, #tpu.memory_space<vmem>>) semaphore(%dma_start3A_47 : memref<!tpu.dma_semaphore, #tpu.memory_space<semaphore_mem>>)
    %dma_start3A_48 = arith.constant 2 : i32
    %dma_start3A_49 = arith.constant 2 : i32
    %dma_start3A_50 = arith.constant 0 : i32
    %dma_start3A_51 = arith.constant 0 : i32
    %dma_start3A_52 = tpu.memref_slice %arg6[%dma_start3A_48, %dma_start3A_50, %dma_start3A_51] : memref<5x32x768xf32, #tpu.memory_space<vmem>> -> memref<1x32x768xf32, #tpu.memory_space<vmem>>
    %dma_start3A_53 = tpu.memref_squeeze %dma_start3A_52 : memref<1x32x768xf32, #tpu.memory_space<vmem>> -> memref<32x768xf32, #tpu.memory_space<vmem>>
    %dma_start3A_54 = arith.constant 64 : i32
    %dma_start3A_55 = tpu.memref_slice %arg5[%dma_start3A_54] : memref<1024xi32, #tpu.memory_space<vmem>> -> memref<32xi32, #tpu.memory_space<vmem>>
    %dma_start3A_56 = arith.constant 0 : i32
    %dma_start3A_57 = arith.constant 0 : i32
    %dma_start3A_58 = tpu.memref_slice %arg3[%dma_start3A_56, %dma_start3A_57] : memref<50257x768xf32, #tpu.memory_space<hbm>> -> memref<50257x768xf32, #tpu.memory_space<hbm>>
    %dma_start3A_59 = tpu.memref_slice %arg7[%dma_start3A_49] : memref<5x!tpu.dma_semaphore, #tpu.memory_space<semaphore_mem>> -> memref<1x!tpu.dma_semaphore, #tpu.memory_space<semaphore_mem>>
    %dma_start3A_60 = tpu.memref_squeeze %dma_start3A_59 : memref<1x!tpu.dma_semaphore, #tpu.memory_space<semaphore_mem>> -> memref<!tpu.dma_semaphore, #tpu.memory_space<semaphore_mem>>
    tpu.enqueue_indirect_dma source(%dma_start3A_58 : memref<50257x768xf32, #tpu.memory_space<hbm>>) target(%dma_start3A_53 : memref<32x768xf32, #tpu.memory_space<vmem>>) offsets(%dma_start3A_55 : memref<32xi32, #tpu.memory_space<vmem>>) semaphore(%dma_start3A_60 : memref<!tpu.dma_semaphore, #tpu.memory_space<semaphore_mem>>)
    %dma_start3A_61 = arith.constant 3 : i32
    %dma_start3A_62 = arith.constant 3 : i32
    %dma_start3A_63 = arith.constant 0 : i32
    %dma_start3A_64 = arith.constant 0 : i32
    %dma_start3A_65 = tpu.memref_slice %arg6[%dma_start3A_61, %dma_start3A_63, %dma_start3A_64] : memref<5x32x768xf32, #tpu.memory_space<vmem>> -> memref<1x32x768xf32, #tpu.memory_space<vmem>>
    %dma_start3A_66 = tpu.memref_squeeze %dma_start3A_65 : memref<1x32x768xf32, #tpu.memory_space<vmem>> -> memref<32x768xf32, #tpu.memory_space<vmem>>
    %dma_start3A_67 = arith.constant 96 : i32
    %dma_start3A_68 = tpu.memref_slice %arg5[%dma_start3A_67] : memref<1024xi32, #tpu.memory_space<vmem>> -> memref<32xi32, #tpu.memory_space<vmem>>
    %dma_start3A_69 = arith.constant 0 : i32
    %dma_start3A_70 = arith.constant 0 : i32
    %dma_start3A_71 = tpu.memref_slice %arg3[%dma_start3A_69, %dma_start3A_70] : memref<50257x768xf32, #tpu.memory_space<hbm>> -> memref<50257x768xf32, #tpu.memory_space<hbm>>
    %dma_start3A_72 = tpu.memref_slice %arg7[%dma_start3A_62] : memref<5x!tpu.dma_semaphore, #tpu.memory_space<semaphore_mem>> -> memref<1x!tpu.dma_semaphore, #tpu.memory_space<semaphore_mem>>
    %dma_start3A_73 = tpu.memref_squeeze %dma_start3A_72 : memref<1x!tpu.dma_semaphore, #tpu.memory_space<semaphore_mem>> -> memref<!tpu.dma_semaphore, #tpu.memory_space<semaphore_mem>>
    tpu.enqueue_indirect_dma source(%dma_start3A_71 : memref<50257x768xf32, #tpu.memory_space<hbm>>) target(%dma_start3A_66 : memref<32x768xf32, #tpu.memory_space<vmem>>) offsets(%dma_start3A_68 : memref<32xi32, #tpu.memory_space<vmem>>) semaphore(%dma_start3A_73 : memref<!tpu.dma_semaphore, #tpu.memory_space<semaphore_mem>>)
    %dma_start3A_74 = arith.constant 4 : i32
    %dma_start3A_75 = arith.constant 4 : i32
    %dma_start3A_76 = arith.constant 0 : i32
    %dma_start3A_77 = arith.constant 0 : i32
    %dma_start3A_78 = tpu.memref_slice %arg6[%dma_start3A_74, %dma_start3A_76, %dma_start3A_77] : memref<5x32x768xf32, #tpu.memory_space<vmem>> -> memref<1x32x768xf32, #tpu.memory_space<vmem>>
    %dma_start3A_79 = tpu.memref_squeeze %dma_start3A_78 : memref<1x32x768xf32, #tpu.memory_space<vmem>> -> memref<32x768xf32, #tpu.memory_space<vmem>>
    %dma_start3A_80 = arith.constant 128 : i32
    %dma_start3A_81 = tpu.memref_slice %arg5[%dma_start3A_80] : memref<1024xi32, #tpu.memory_space<vmem>> -> memref<32xi32, #tpu.memory_space<vmem>>
    %dma_start3A_82 = arith.constant 0 : i32
    %dma_start3A_83 = arith.constant 0 : i32
    %dma_start3A_84 = tpu.memref_slice %arg3[%dma_start3A_82, %dma_start3A_83] : memref<50257x768xf32, #tpu.memory_space<hbm>> -> memref<50257x768xf32, #tpu.memory_space<hbm>>
    %dma_start3A_85 = tpu.memref_slice %arg7[%dma_start3A_75] : memref<5x!tpu.dma_semaphore, #tpu.memory_space<semaphore_mem>> -> memref<1x!tpu.dma_semaphore, #tpu.memory_space<semaphore_mem>>
    %dma_start3A_86 = tpu.memref_squeeze %dma_start3A_85 : memref<1x!tpu.dma_semaphore, #tpu.memory_space<semaphore_mem>> -> memref<!tpu.dma_semaphore, #tpu.memory_space<semaphore_mem>>
    tpu.enqueue_indirect_dma source(%dma_start3A_84 : memref<50257x768xf32, #tpu.memory_space<hbm>>) target(%dma_start3A_79 : memref<32x768xf32, #tpu.memory_space<vmem>>) offsets(%dma_start3A_81 : memref<32xi32, #tpu.memory_space<vmem>>) semaphore(%dma_start3A_86 : memref<!tpu.dma_semaphore, #tpu.memory_space<semaphore_mem>>)
    %scan3A = arith.constant 0 : i32
    %scan3A_87 = arith.constant 32 : i32
    %scan3A_88 = arith.addi %scan3A, %scan3A_87 : i32
    %scan3A_89 = arith.constant 1 : i32
    scf.for %scan3A_180 = %scan3A to %scan3A_88 step %scan3A_89  : i32 {
      %rem3A_181 = arith.constant 5 : i32
      %rem3A_182 = arith.remsi %scan3A_180, %rem3A_181 : i32
      %dma_wait3A_183 = arith.constant 0 : i32
      %dma_wait3A_184 = arith.constant 0 : i32
      %dma_wait3A_185 = tpu.memref_slice %arg6[%rem3A_182, %dma_wait3A_183, %dma_wait3A_184] : memref<5x32x768xf32, #tpu.memory_space<vmem>> -> memref<1x32x768xf32, #tpu.memory_space<vmem>>
      %dma_wait3A_186 = tpu.memref_squeeze %dma_wait3A_185 : memref<1x32x768xf32, #tpu.memory_space<vmem>> -> memref<32x768xf32, #tpu.memory_space<vmem>>
      %dma_wait3A_187 = arith.constant 0 : i32
      %dma_wait3A_188 = arith.constant 0 : i32
      %dma_wait3A_189 = tpu.memref_slice %arg3[%dma_wait3A_187, %dma_wait3A_188] : memref<50257x768xf32, #tpu.memory_space<hbm>> -> memref<32x768xf32, #tpu.memory_space<hbm>>
      %dma_wait3A_190 = tpu.memref_slice %arg7[%rem3A_182] : memref<5x!tpu.dma_semaphore, #tpu.memory_space<semaphore_mem>> -> memref<1x!tpu.dma_semaphore, #tpu.memory_space<semaphore_mem>>
      %dma_wait3A_191 = tpu.memref_squeeze %dma_wait3A_190 : memref<1x!tpu.dma_semaphore, #tpu.memory_space<semaphore_mem>> -> memref<!tpu.dma_semaphore, #tpu.memory_space<semaphore_mem>>
      %dma_wait3A_192 = arith.constant 0 : i32
      %dma_wait3A_193 = arith.constant 0 : i32
      %dma_wait3A_194 = tpu.memref_slice %arg6[%rem3A_182, %dma_wait3A_192, %dma_wait3A_193] : memref<5x32x768xf32, #tpu.memory_space<vmem>> -> memref<1x32x768xf32, #tpu.memory_space<vmem>>
      %dma_wait3A_195 = tpu.memref_squeeze %dma_wait3A_194 : memref<1x32x768xf32, #tpu.memory_space<vmem>> -> memref<32x768xf32, #tpu.memory_space<vmem>>
      %dma_wait3A_196 = arith.constant 0 : i32
      %dma_wait3A_197 = arith.constant 0 : i32
      %dma_wait3A_198 = tpu.memref_slice %arg3[%dma_wait3A_196, %dma_wait3A_197] : memref<50257x768xf32, #tpu.memory_space<hbm>> -> memref<32x768xf32, #tpu.memory_space<hbm>>
      tpu.wait_dma2 semaphore(%dma_wait3A_191 : memref<!tpu.dma_semaphore, #tpu.memory_space<semaphore_mem>>) src(%dma_wait3A_198 : memref<32x768xf32, #tpu.memory_space<hbm>>) dst(%dma_wait3A_195 : memref<32x768xf32, #tpu.memory_space<vmem>>)
      %mul3A_199 = arith.constant 32 : i32
      %mul3A_200 = arith.muli %scan3A_180, %mul3A_199 : i32
      %add3A_201 = arith.addi %mul3A_2, %mul3A_200 : i32
      %dma_start3A_202 = arith.constant 0 : i32
      %dma_start3A_203 = arith.constant 0 : i32
      %dma_start3A_204 = tpu.memref_slice %arg6[%rem3A_182, %dma_start3A_202, %dma_start3A_203] : memref<5x32x768xf32, #tpu.memory_space<vmem>> -> memref<1x32x768xf32, #tpu.memory_space<vmem>>
      %dma_start3A_205 = tpu.memref_squeeze %dma_start3A_204 : memref<1x32x768xf32, #tpu.memory_space<vmem>> -> memref<32x768xf32, #tpu.memory_space<vmem>>
      %dma_start3A_206 = arith.constant 0 : i32
      %dma_start3A_207 = tpu.memref_slice %arg4[%add3A_201, %dma_start3A_206] : memref<32768x768xf32, #tpu.memory_space<hbm>> -> memref<32x768xf32, #tpu.memory_space<hbm>>
      %dma_start3A_208 = tpu.memref_slice %arg8[%rem3A_182] : memref<5x!tpu.dma_semaphore, #tpu.memory_space<semaphore_mem>> -> memref<1x!tpu.dma_semaphore, #tpu.memory_space<semaphore_mem>>
      %dma_start3A_209 = tpu.memref_squeeze %dma_start3A_208 : memref<1x!tpu.dma_semaphore, #tpu.memory_space<semaphore_mem>> -> memref<!tpu.dma_semaphore, #tpu.memory_space<semaphore_mem>>
      %dma_start3A_210 = arith.constant 0 : i32
      %dma_start3A_211 = tpu.memref_slice %arg4[%add3A_201, %dma_start3A_210] : memref<32768x768xf32, #tpu.memory_space<hbm>> -> memref<32x768xf32, #tpu.memory_space<hbm>>
      %dma_start3A_212 = arith.constant 0 : i32
      %dma_start3A_213 = arith.constant 0 : i32
      %dma_start3A_214 = tpu.memref_slice %arg6[%rem3A_182, %dma_start3A_212, %dma_start3A_213] : memref<5x32x768xf32, #tpu.memory_space<vmem>> -> memref<1x32x768xf32, #tpu.memory_space<vmem>>
      %dma_start3A_215 = tpu.memref_squeeze %dma_start3A_214 : memref<1x32x768xf32, #tpu.memory_space<vmem>> -> memref<32x768xf32, #tpu.memory_space<vmem>>
      tpu.enqueue_dma source(%dma_start3A_215 : memref<32x768xf32, #tpu.memory_space<vmem>>) target(%dma_start3A_211 : memref<32x768xf32, #tpu.memory_space<hbm>>) target_semaphore(%dma_start3A_209 : memref<!tpu.dma_semaphore, #tpu.memory_space<semaphore_mem>>)
      %add3A_216 = arith.constant 5 : i32
      %add3A_217 = arith.addi %scan3A_180, %add3A_216 : i32
      %lt3A = arith.constant 32 : i32
      %lt3A_218 = arith.cmpi slt, %add3A_217, %lt3A : i32
      %convert_element_type3A = arith.extui %lt3A_218 : i1 to i32
      %cond3A = arith.constant 0 : i32
      %cond3A_219 = arith.cmpi ne, %convert_element_type3A, %cond3A : i32
      scf.if %cond3A_219 {
        %dma_wait3A_220 = arith.constant 0 : i32
        %dma_wait3A_221 = arith.constant 0 : i32
        %dma_wait3A_222 = tpu.memref_slice %arg6[%rem3A_182, %dma_wait3A_220, %dma_wait3A_221] : memref<5x32x768xf32, #tpu.memory_space<vmem>> -> memref<1x32x768xf32, #tpu.memory_space<vmem>>
        %dma_wait3A_223 = tpu.memref_squeeze %dma_wait3A_222 : memref<1x32x768xf32, #tpu.memory_space<vmem>> -> memref<32x768xf32, #tpu.memory_space<vmem>>
        %dma_wait3A_224 = arith.constant 0 : i32
        %dma_wait3A_225 = tpu.memref_slice %arg4[%add3A_201, %dma_wait3A_224] : memref<32768x768xf32, #tpu.memory_space<hbm>> -> memref<32x768xf32, #tpu.memory_space<hbm>>
        %dma_wait3A_226 = tpu.memref_slice %arg8[%rem3A_182] : memref<5x!tpu.dma_semaphore, #tpu.memory_space<semaphore_mem>> -> memref<1x!tpu.dma_semaphore, #tpu.memory_space<semaphore_mem>>
        %dma_wait3A_227 = tpu.memref_squeeze %dma_wait3A_226 : memref<1x!tpu.dma_semaphore, #tpu.memory_space<semaphore_mem>> -> memref<!tpu.dma_semaphore, #tpu.memory_space<semaphore_mem>>
        %dma_wait3A_228 = arith.constant 0 : i32
        %dma_wait3A_229 = tpu.memref_slice %arg4[%add3A_201, %dma_wait3A_228] : memref<32768x768xf32, #tpu.memory_space<hbm>> -> memref<32x768xf32, #tpu.memory_space<hbm>>
        %dma_wait3A_230 = arith.constant 0 : i32
        %dma_wait3A_231 = arith.constant 0 : i32
        %dma_wait3A_232 = tpu.memref_slice %arg6[%rem3A_182, %dma_wait3A_230, %dma_wait3A_231] : memref<5x32x768xf32, #tpu.memory_space<vmem>> -> memref<1x32x768xf32, #tpu.memory_space<vmem>>
        %dma_wait3A_233 = tpu.memref_squeeze %dma_wait3A_232 : memref<1x32x768xf32, #tpu.memory_space<vmem>> -> memref<32x768xf32, #tpu.memory_space<vmem>>
        tpu.wait_dma2 semaphore(%dma_wait3A_227 : memref<!tpu.dma_semaphore, #tpu.memory_space<semaphore_mem>>) src(%dma_wait3A_233 : memref<32x768xf32, #tpu.memory_space<vmem>>) dst(%dma_wait3A_229 : memref<32x768xf32, #tpu.memory_space<hbm>>)
        %add3A_234 = arith.constant 5 : i32
        %add3A_235 = arith.addi %scan3A_180, %add3A_234 : i32
        %mul3A_236 = arith.constant 32 : i32
        %mul3A_237 = arith.muli %add3A_235, %mul3A_236 : i32
        %dma_start3A_238 = arith.constant 0 : i32
        %dma_start3A_239 = arith.constant 0 : i32
        %dma_start3A_240 = tpu.memref_slice %arg6[%rem3A_182, %dma_start3A_238, %dma_start3A_239] : memref<5x32x768xf32, #tpu.memory_space<vmem>> -> memref<1x32x768xf32, #tpu.memory_space<vmem>>
        %dma_start3A_241 = tpu.memref_squeeze %dma_start3A_240 : memref<1x32x768xf32, #tpu.memory_space<vmem>> -> memref<32x768xf32, #tpu.memory_space<vmem>>
        %dma_start3A_242 = tpu.memref_slice %arg5[%mul3A_237] : memref<1024xi32, #tpu.memory_space<vmem>> -> memref<32xi32, #tpu.memory_space<vmem>>
        %dma_start3A_243 = arith.constant 0 : i32
        %dma_start3A_244 = arith.constant 0 : i32
        %dma_start3A_245 = tpu.memref_slice %arg3[%dma_start3A_243, %dma_start3A_244] : memref<50257x768xf32, #tpu.memory_space<hbm>> -> memref<50257x768xf32, #tpu.memory_space<hbm>>
        %dma_start3A_246 = tpu.memref_slice %arg7[%rem3A_182] : memref<5x!tpu.dma_semaphore, #tpu.memory_space<semaphore_mem>> -> memref<1x!tpu.dma_semaphore, #tpu.memory_space<semaphore_mem>>
        %dma_start3A_247 = tpu.memref_squeeze %dma_start3A_246 : memref<1x!tpu.dma_semaphore, #tpu.memory_space<semaphore_mem>> -> memref<!tpu.dma_semaphore, #tpu.memory_space<semaphore_mem>>
        tpu.enqueue_indirect_dma source(%dma_start3A_245 : memref<50257x768xf32, #tpu.memory_space<hbm>>) target(%dma_start3A_241 : memref<32x768xf32, #tpu.memory_space<vmem>>) offsets(%dma_start3A_242 : memref<32xi32, #tpu.memory_space<vmem>>) semaphore(%dma_start3A_247 : memref<!tpu.dma_semaphore, #tpu.memory_space<semaphore_mem>>)
      } else {
      }
    }
    %scan3A_90 = arith.constant 32 : i32
    %dma_wait3A = arith.constant 0 : i32
    %dma_wait3A_91 = arith.constant 0 : i32
    %dma_wait3A_92 = arith.constant 0 : i32
    %dma_wait3A_93 = arith.constant 0 : i32
    %dma_wait3A_94 = tpu.memref_slice %arg6[%dma_wait3A, %dma_wait3A_92, %dma_wait3A_93] : memref<5x32x768xf32, #tpu.memory_space<vmem>> -> memref<1x32x768xf32, #tpu.memory_space<vmem>>
    %dma_wait3A_95 = tpu.memref_squeeze %dma_wait3A_94 : memref<1x32x768xf32, #tpu.memory_space<vmem>> -> memref<32x768xf32, #tpu.memory_space<vmem>>
    %dma_wait3A_96 = arith.constant 0 : i32
    %dma_wait3A_97 = arith.constant 0 : i32
    %dma_wait3A_98 = tpu.memref_slice %arg3[%dma_wait3A_96, %dma_wait3A_97] : memref<50257x768xf32, #tpu.memory_space<hbm>> -> memref<32x768xf32, #tpu.memory_space<hbm>>
    %dma_wait3A_99 = tpu.memref_slice %arg8[%dma_wait3A_91] : memref<5x!tpu.dma_semaphore, #tpu.memory_space<semaphore_mem>> -> memref<1x!tpu.dma_semaphore, #tpu.memory_space<semaphore_mem>>
    %dma_wait3A_100 = tpu.memref_squeeze %dma_wait3A_99 : memref<1x!tpu.dma_semaphore, #tpu.memory_space<semaphore_mem>> -> memref<!tpu.dma_semaphore, #tpu.memory_space<semaphore_mem>>
    %dma_wait3A_101 = arith.constant 0 : i32
    %dma_wait3A_102 = arith.constant 0 : i32
    %dma_wait3A_103 = tpu.memref_slice %arg6[%dma_wait3A, %dma_wait3A_101, %dma_wait3A_102] : memref<5x32x768xf32, #tpu.memory_space<vmem>> -> memref<1x32x768xf32, #tpu.memory_space<vmem>>
    %dma_wait3A_104 = tpu.memref_squeeze %dma_wait3A_103 : memref<1x32x768xf32, #tpu.memory_space<vmem>> -> memref<32x768xf32, #tpu.memory_space<vmem>>
    %dma_wait3A_105 = arith.constant 0 : i32
    %dma_wait3A_106 = arith.constant 0 : i32
    %dma_wait3A_107 = tpu.memref_slice %arg3[%dma_wait3A_105, %dma_wait3A_106] : memref<50257x768xf32, #tpu.memory_space<hbm>> -> memref<32x768xf32, #tpu.memory_space<hbm>>
    tpu.wait_dma2 semaphore(%dma_wait3A_100 : memref<!tpu.dma_semaphore, #tpu.memory_space<semaphore_mem>>) src(%dma_wait3A_107 : memref<32x768xf32, #tpu.memory_space<hbm>>) dst(%dma_wait3A_104 : memref<32x768xf32, #tpu.memory_space<vmem>>)
    %dma_wait3A_108 = arith.constant 1 : i32
    %dma_wait3A_109 = arith.constant 1 : i32
    %dma_wait3A_110 = arith.constant 0 : i32
    %dma_wait3A_111 = arith.constant 0 : i32
    %dma_wait3A_112 = tpu.memref_slice %arg6[%dma_wait3A_108, %dma_wait3A_110, %dma_wait3A_111] : memref<5x32x768xf32, #tpu.memory_space<vmem>> -> memref<1x32x768xf32, #tpu.memory_space<vmem>>
    %dma_wait3A_113 = tpu.memref_squeeze %dma_wait3A_112 : memref<1x32x768xf32, #tpu.memory_space<vmem>> -> memref<32x768xf32, #tpu.memory_space<vmem>>
    %dma_wait3A_114 = arith.constant 0 : i32
    %dma_wait3A_115 = arith.constant 0 : i32
    %dma_wait3A_116 = tpu.memref_slice %arg3[%dma_wait3A_114, %dma_wait3A_115] : memref<50257x768xf32, #tpu.memory_space<hbm>> -> memref<32x768xf32, #tpu.memory_space<hbm>>
    %dma_wait3A_117 = tpu.memref_slice %arg8[%dma_wait3A_109] : memref<5x!tpu.dma_semaphore, #tpu.memory_space<semaphore_mem>> -> memref<1x!tpu.dma_semaphore, #tpu.memory_space<semaphore_mem>>
    %dma_wait3A_118 = tpu.memref_squeeze %dma_wait3A_117 : memref<1x!tpu.dma_semaphore, #tpu.memory_space<semaphore_mem>> -> memref<!tpu.dma_semaphore, #tpu.memory_space<semaphore_mem>>
    %dma_wait3A_119 = arith.constant 0 : i32
    %dma_wait3A_120 = arith.constant 0 : i32
    %dma_wait3A_121 = tpu.memref_slice %arg6[%dma_wait3A_108, %dma_wait3A_119, %dma_wait3A_120] : memref<5x32x768xf32, #tpu.memory_space<vmem>> -> memref<1x32x768xf32, #tpu.memory_space<vmem>>
    %dma_wait3A_122 = tpu.memref_squeeze %dma_wait3A_121 : memref<1x32x768xf32, #tpu.memory_space<vmem>> -> memref<32x768xf32, #tpu.memory_space<vmem>>
    %dma_wait3A_123 = arith.constant 0 : i32
    %dma_wait3A_124 = arith.constant 0 : i32
    %dma_wait3A_125 = tpu.memref_slice %arg3[%dma_wait3A_123, %dma_wait3A_124] : memref<50257x768xf32, #tpu.memory_space<hbm>> -> memref<32x768xf32, #tpu.memory_space<hbm>>
    tpu.wait_dma2 semaphore(%dma_wait3A_118 : memref<!tpu.dma_semaphore, #tpu.memory_space<semaphore_mem>>) src(%dma_wait3A_125 : memref<32x768xf32, #tpu.memory_space<hbm>>) dst(%dma_wait3A_122 : memref<32x768xf32, #tpu.memory_space<vmem>>)
    %dma_wait3A_126 = arith.constant 2 : i32
    %dma_wait3A_127 = arith.constant 2 : i32
    %dma_wait3A_128 = arith.constant 0 : i32
    %dma_wait3A_129 = arith.constant 0 : i32
    %dma_wait3A_130 = tpu.memref_slice %arg6[%dma_wait3A_126, %dma_wait3A_128, %dma_wait3A_129] : memref<5x32x768xf32, #tpu.memory_space<vmem>> -> memref<1x32x768xf32, #tpu.memory_space<vmem>>
    %dma_wait3A_131 = tpu.memref_squeeze %dma_wait3A_130 : memref<1x32x768xf32, #tpu.memory_space<vmem>> -> memref<32x768xf32, #tpu.memory_space<vmem>>
    %dma_wait3A_132 = arith.constant 0 : i32
    %dma_wait3A_133 = arith.constant 0 : i32
    %dma_wait3A_134 = tpu.memref_slice %arg3[%dma_wait3A_132, %dma_wait3A_133] : memref<50257x768xf32, #tpu.memory_space<hbm>> -> memref<32x768xf32, #tpu.memory_space<hbm>>
    %dma_wait3A_135 = tpu.memref_slice %arg8[%dma_wait3A_127] : memref<5x!tpu.dma_semaphore, #tpu.memory_space<semaphore_mem>> -> memref<1x!tpu.dma_semaphore, #tpu.memory_space<semaphore_mem>>
    %dma_wait3A_136 = tpu.memref_squeeze %dma_wait3A_135 : memref<1x!tpu.dma_semaphore, #tpu.memory_space<semaphore_mem>> -> memref<!tpu.dma_semaphore, #tpu.memory_space<semaphore_mem>>
    %dma_wait3A_137 = arith.constant 0 : i32
    %dma_wait3A_138 = arith.constant 0 : i32
    %dma_wait3A_139 = tpu.memref_slice %arg6[%dma_wait3A_126, %dma_wait3A_137, %dma_wait3A_138] : memref<5x32x768xf32, #tpu.memory_space<vmem>> -> memref<1x32x768xf32, #tpu.memory_space<vmem>>
    %dma_wait3A_140 = tpu.memref_squeeze %dma_wait3A_139 : memref<1x32x768xf32, #tpu.memory_space<vmem>> -> memref<32x768xf32, #tpu.memory_space<vmem>>
    %dma_wait3A_141 = arith.constant 0 : i32
    %dma_wait3A_142 = arith.constant 0 : i32
    %dma_wait3A_143 = tpu.memref_slice %arg3[%dma_wait3A_141, %dma_wait3A_142] : memref<50257x768xf32, #tpu.memory_space<hbm>> -> memref<32x768xf32, #tpu.memory_space<hbm>>
    tpu.wait_dma2 semaphore(%dma_wait3A_136 : memref<!tpu.dma_semaphore, #tpu.memory_space<semaphore_mem>>) src(%dma_wait3A_143 : memref<32x768xf32, #tpu.memory_space<hbm>>) dst(%dma_wait3A_140 : memref<32x768xf32, #tpu.memory_space<vmem>>)
    %dma_wait3A_144 = arith.constant 3 : i32
    %dma_wait3A_145 = arith.constant 3 : i32
    %dma_wait3A_146 = arith.constant 0 : i32
    %dma_wait3A_147 = arith.constant 0 : i32
    %dma_wait3A_148 = tpu.memref_slice %arg6[%dma_wait3A_144, %dma_wait3A_146, %dma_wait3A_147] : memref<5x32x768xf32, #tpu.memory_space<vmem>> -> memref<1x32x768xf32, #tpu.memory_space<vmem>>
    %dma_wait3A_149 = tpu.memref_squeeze %dma_wait3A_148 : memref<1x32x768xf32, #tpu.memory_space<vmem>> -> memref<32x768xf32, #tpu.memory_space<vmem>>
    %dma_wait3A_150 = arith.constant 0 : i32
    %dma_wait3A_151 = arith.constant 0 : i32
    %dma_wait3A_152 = tpu.memref_slice %arg3[%dma_wait3A_150, %dma_wait3A_151] : memref<50257x768xf32, #tpu.memory_space<hbm>> -> memref<32x768xf32, #tpu.memory_space<hbm>>
    %dma_wait3A_153 = tpu.memref_slice %arg8[%dma_wait3A_145] : memref<5x!tpu.dma_semaphore, #tpu.memory_space<semaphore_mem>> -> memref<1x!tpu.dma_semaphore, #tpu.memory_space<semaphore_mem>>
    %dma_wait3A_154 = tpu.memref_squeeze %dma_wait3A_153 : memref<1x!tpu.dma_semaphore, #tpu.memory_space<semaphore_mem>> -> memref<!tpu.dma_semaphore, #tpu.memory_space<semaphore_mem>>
    %dma_wait3A_155 = arith.constant 0 : i32
    %dma_wait3A_156 = arith.constant 0 : i32
    %dma_wait3A_157 = tpu.memref_slice %arg6[%dma_wait3A_144, %dma_wait3A_155, %dma_wait3A_156] : memref<5x32x768xf32, #tpu.memory_space<vmem>> -> memref<1x32x768xf32, #tpu.memory_space<vmem>>
    %dma_wait3A_158 = tpu.memref_squeeze %dma_wait3A_157 : memref<1x32x768xf32, #tpu.memory_space<vmem>> -> memref<32x768xf32, #tpu.memory_space<vmem>>
    %dma_wait3A_159 = arith.constant 0 : i32
    %dma_wait3A_160 = arith.constant 0 : i32
    %dma_wait3A_161 = tpu.memref_slice %arg3[%dma_wait3A_159, %dma_wait3A_160] : memref<50257x768xf32, #tpu.memory_space<hbm>> -> memref<32x768xf32, #tpu.memory_space<hbm>>
    tpu.wait_dma2 semaphore(%dma_wait3A_154 : memref<!tpu.dma_semaphore, #tpu.memory_space<semaphore_mem>>) src(%dma_wait3A_161 : memref<32x768xf32, #tpu.memory_space<hbm>>) dst(%dma_wait3A_158 : memref<32x768xf32, #tpu.memory_space<vmem>>)
    %dma_wait3A_162 = arith.constant 4 : i32
    %dma_wait3A_163 = arith.constant 4 : i32
    %dma_wait3A_164 = arith.constant 0 : i32
    %dma_wait3A_165 = arith.constant 0 : i32
    %dma_wait3A_166 = tpu.memref_slice %arg6[%dma_wait3A_162, %dma_wait3A_164, %dma_wait3A_165] : memref<5x32x768xf32, #tpu.memory_space<vmem>> -> memref<1x32x768xf32, #tpu.memory_space<vmem>>
    %dma_wait3A_167 = tpu.memref_squeeze %dma_wait3A_166 : memref<1x32x768xf32, #tpu.memory_space<vmem>> -> memref<32x768xf32, #tpu.memory_space<vmem>>
    %dma_wait3A_168 = arith.constant 0 : i32
    %dma_wait3A_169 = arith.constant 0 : i32
    %dma_wait3A_170 = tpu.memref_slice %arg3[%dma_wait3A_168, %dma_wait3A_169] : memref<50257x768xf32, #tpu.memory_space<hbm>> -> memref<32x768xf32, #tpu.memory_space<hbm>>
    %dma_wait3A_171 = tpu.memref_slice %arg8[%dma_wait3A_163] : memref<5x!tpu.dma_semaphore, #tpu.memory_space<semaphore_mem>> -> memref<1x!tpu.dma_semaphore, #tpu.memory_space<semaphore_mem>>
    %dma_wait3A_172 = tpu.memref_squeeze %dma_wait3A_171 : memref<1x!tpu.dma_semaphore, #tpu.memory_space<semaphore_mem>> -> memref<!tpu.dma_semaphore, #tpu.memory_space<semaphore_mem>>
    %dma_wait3A_173 = arith.constant 0 : i32
    %dma_wait3A_174 = arith.constant 0 : i32
    %dma_wait3A_175 = tpu.memref_slice %arg6[%dma_wait3A_162, %dma_wait3A_173, %dma_wait3A_174] : memref<5x32x768xf32, #tpu.memory_space<vmem>> -> memref<1x32x768xf32, #tpu.memory_space<vmem>>
    %dma_wait3A_176 = tpu.memref_squeeze %dma_wait3A_175 : memref<1x32x768xf32, #tpu.memory_space<vmem>> -> memref<32x768xf32, #tpu.memory_space<vmem>>
    %dma_wait3A_177 = arith.constant 0 : i32
    %dma_wait3A_178 = arith.constant 0 : i32
    %dma_wait3A_179 = tpu.memref_slice %arg3[%dma_wait3A_177, %dma_wait3A_178] : memref<50257x768xf32, #tpu.memory_space<hbm>> -> memref<32x768xf32, #tpu.memory_space<hbm>>
    tpu.wait_dma2 semaphore(%dma_wait3A_172 : memref<!tpu.dma_semaphore, #tpu.memory_space<semaphore_mem>>) src(%dma_wait3A_179 : memref<32x768xf32, #tpu.memory_space<hbm>>) dst(%dma_wait3A_176 : memref<32x768xf32, #tpu.memory_space<vmem>>)
    return
  }
}

</mosaic_0001>

<sc_bundles>
// kernel: _gather_rows.3.cloned.1.call-start
scs
__scs_entry_jumppad:
0x0: {  	(pc) =	sbr.rel $0x88, $3  }
0x1: {  	(tag) =	ssettag $0x0;
	lr =	simm.s32 $0x1  }
0x2: {  	[smem:$0x3F9F] =	sst lr;
	_ =	strace $0xD0000000  }
0x3: {  	_ = 	snop  }
0x4: {  	_ = 	snop  }
0x5: {  	_ = 	snop  }
0x6: {  	_ = 	snop  }
0x7: {  	_ = 	snop  }
__scs_overlays_trampoline_lowered:
0x8: {  	[smem:$0x3FAE] =	sst s0  }
0x9: {  	[smem:$0x3FAF] =	sst s1  }
0xa: {  	[smem:$0x3FB0] =	sst s2  }
0xb: {  	[smem:$0x3FB1] =	sst s3  }
0xc: {  	[smem:$0x3FB2] =	sst s4  }
0xd: {  	[smem:$0x3FB3] =	sst s5  }
0xe: {  	[smem:$0x3FB4] =	sst s6  }
0xf: {  	[smem:$0x3FB5] =	sst s7  }
0x10: {  	[smem:$0x3FB6] =	sst s8  }
0x11: {  	[smem:$0x3FB7] =	sst s9;
	s0 =	simm.s32 @!p0 $0x0  }
0x12: {  	s1 =	sld [smem:$0x3F9D];
	s0 =	simm.s32 @p0 $0x1  }
0x13: {  	[smem:$0x3FB8] =	sst s0;
	s0 =	simm.s32 @!p1 $0x0  }
0x14: {  	s2 =	sld [smem:$0x3F9C];
	s0 =	simm.s32 @p1 $0x1  }
0x15: {  	[smem:$0x3FB9] =	sst s0;
	s0 =	simm.s32 @!p2 $0x0  }
0x16: {  	s3 =	sld [smem:$0x3FDB];
	s0 =	simm.s32 @p2 $0x1  }
0x17: {  	s4 =	simm.s32 $0x1BF5;
	[smem:$0x3FBB] =	sst s0  }
0x18: {  	s0 =	sld [smem:$0x3F9E];
	_ =	swait.ge [sflag:s4], $0x0  }
0x19: {  	s7 =	sld [smem:$0x3F9F]  }
0x1a: {  	s8 =	sadd.s32 $0xFFFFE003, lr  }
0x1b: {  	s9 =	sadd.s32 $0xFFFFFEF7, lr;
	s5 =	simm.s32 $0xFFFFFFFF;
	p2 =	slt.u32 s8, $0xFFFFF086  }
0x1c: {  	p1 =	slt.u32 s9, $0xF7A;
	s5 =	simm.s32 @!p2 $0x0  }
0x1d: {  	s5 =	simm.s32 @p1 $0x1;
	p0 =	seq.s32 s7, s2  }
0x1e: {  	s7 =	smul.u32 @!p0 $0xF7A, s2;
	p2 =	seq.s32 @!p0 s5, $0x0  }
0x1f: {  	s9 =	smul.u32 $0xF7A, s1;
	s8 =	simm.s32 @!p0 $0x1BF5;
	p2 =	por !p2, p0  }
0x20: {  	[sflag:s8] =	ssyncset.s32 @!p0 $0xFFFFF086;
	s6 =	sadd.s32 @!p0 s3, s7;
	s7 =	simm.s32 @!p0 $0x108  }
0x21: {  	s3 =	sadd.s32 s3, s9;
	s6 =	sadd.s32 @!p0 $0x88, s6;
	s7 =	simm.s32 @p2 $0x1082  }
0x22: {  	[simem:s7], [sflag:s8] =	dma.local @!p0 [hbm:s6], $0xF7A  }
0x23: {  	s9 =	sor.u32 $0xD0000000, s2;
	s6 =	simm.s32 $0x108;
	_ =	swait.ge @!p0 [sflag:s8], $0x0  }
0x24: {  	s3 =	sadd.s32 $0x88, s3;
	s6 =	simm.s32 @!p1 $0x1082;
	[sflag:s4] =	ssyncset.s32 $0xFFFFF086  }
0x25: {  	[simem:s6], [sflag:s4] =	dma.local [hbm:s3], $0xF7A  }
0x26: {  	[smem:$0x3F9F] =	sst s1;
	(tag) =	ssettag s2;
	_ =	strace s9  }
0x27: {  	s1 =	sld [smem:$0x3FAF]  }
0x28: {  	s2 =	sld [smem:$0x3FB0]  }
0x29: {  	s4 =	sld [smem:$0x3FB2]  }
0x2a: {  	p0 =	seq.s32 s5, $0x0;
	s5 =	sld [smem:$0x3FB3]  }
0x2b: {  	s6 =	sld [smem:$0x3FB4]  }
0x2c: {  	s7 =	sld [smem:$0x3FB5]  }
0x2d: {  	s3 =	simm.s32 $0x108;
	s8 =	sld [smem:$0x3FB6]  }
0x2e: {  	s3 =	simm.s32 @!p0 $0x1082;
	s9 =	sld [smem:$0x3FB7]  }
0x2f: {  	lr =	sadd.s32 s0, s3;
	s0 =	sld [smem:$0x3FAE]  }
0x30: {  	s3 =	sld [smem:$0x3FB1]  }
0x31: {  	[smem:$0x3FBA] =	sst s10  }
0x32: {  	s10 =	sld [smem:$0x3FB8];
	_ =	sdelay $0x3  }
0x33: {  	p0 =	seq.s32 s10, $0x1;
	s10 =	sld [smem:$0x3FBA];
	_ =	sdelay $0x3  }
0x34: {  	[smem:$0x3FBA] =	sst s10  }
0x35: {  	s10 =	sld [smem:$0x3FB9];
	_ =	sdelay $0x3  }
0x36: {  	p1 =	seq.s32 s10, $0x1;
	s10 =	sld [smem:$0x3FBA];
	_ =	sdelay $0x3  }
0x37: {  	[smem:$0x3FBA] =	sst s10  }
0x38: {  	s10 =	sld [smem:$0x3FBB]  }
0x39: {  	_ = 	snop;
	(pc) =	sbr.ind lr, $3  }
0x3a: {  	_ = 	snop  }
0x3b: {  	_ = 	snop  }
0x3c: {  	p2 =	seq.s32 s10, $0x1;
	s10 =	sld [smem:$0x3FBA]  }
0x3d: {  	_ =	shalt  }
0x3e: {  	_ =	shalt  }
0x3f: {  	_ =	shalt  }
0x40: {  	_ =	shalt  }
0x41: {  	_ =	shalt  }
0x42: {  	_ =	shalt  }
0x43: {  	_ =	shalt  }
0x44: {  	_ =	shalt  }
0x45: {  	_ =	shalt  }
0x46: {  	_ =	shalt  }
0x47: {  	_ =	shalt  }
0x48: {  	_ =	shalt  }
0x49: {  	_ =	shalt  }
0x4a: {  	_ =	shalt  }
0x4b: {  	_ =	shalt  }
0x4c: {  	_ =	shalt  }
0x4d: {  	_ =	shalt  }
0x4e: {  	_ =	shalt  }
0x4f: {  	_ =	shalt  }
0x50: {  	_ =	shalt  }
0x51: {  	_ =	shalt  }
0x52: {  	_ =	shalt  }
0x53: {  	_ =	shalt  }
0x54: {  	_ =	shalt  }
0x55: {  	_ =	shalt  }
0x56: {  	_ =	shalt  }
0x57: {  	_ =	shalt  }
0x58: {  	_ =	shalt  }
0x59: {  	_ =	shalt  }
0x5a: {  	_ =	shalt  }
0x5b: {  	_ =	shalt  }
0x5c: {  	_ =	shalt  }
0x5d: {  	_ =	shalt  }
0x5e: {  	_ =	shalt  }
0x5f: {  	_ =	shalt  }
0x60: {  	_ =	shalt  }
0x61: {  	_ =	shalt  }
0x62: {  	_ =	shalt  }
0x63: {  	_ =	shalt  }
0x64: {  	_ =	shalt  }
0x65: {  	_ =	shalt  }
0x66: {  	_ =	shalt  }
0x67: {  	_ =	shalt  }
0x68: {  	_ =	shalt  }
0x69: {  	_ =	shalt  }
0x6a: {  	_ =	shalt  }
0x6b: {  	_ =	shalt  }
0x6c: {  	_ =	shalt  }
0x6d: {  	_ =	shalt  }
0x6e: {  	_ =	shalt  }
0x6f: {  	_ =	shalt  }
0x70: {  	_ =	shalt  }
0x71: {  	_ =	shalt  }
0x72: {  	_ =	shalt  }
0x73: {  	_ =	shalt  }
0x74: {  	_ =	shalt  }
0x75: {  	_ =	shalt  }
0x76: {  	_ =	shalt  }
0x77: {  	_ =	shalt  }
0x78: {  	_ =	shalt  }
0x79: {  	_ =	shalt  }
0x7a: {  	_ =	shalt  }
0x7b: {  	_ =	shalt  }
0x7c: {  	_ =	shalt  }
0x7d: {  	_ =	shalt  }
0x7e: {  	_ =	shalt  }
0x7f: {  	_ =	shalt  }
0x80: {  	_ =	shalt  }
0x81: {  	_ =	shalt  }
0x82: {  	_ =	shalt  }
0x83: {  	_ =	shalt  }
0x84: {  	_ =	shalt  }
0x85: {  	_ =	shalt  }
0x86: {  	_ =	shalt  }
0x87: {  	_ =	shalt  }
.Lfunc_end0:
.L_simem_size_0:
called_computation_lowered:
.L_overlay_start_0:
0x88: {  	s2 =	sld [smem:$0x3FD9]  }
0x89: {  	s3 =	sld [smem:$0x3FFE];
	_ =	sdelay $0x1  }
0x8a: {  	s1 =	srdreg.scid  }
0x8b: {  	s0 =	sand.u32 $0x1, s1  }
0x8c: {  	s18 =	sshll.u32 s0, $0xA;
	s2 =	sadd.s32 s3, s2  }
0x8d: {  	s2 =	sadd.s32 s2, s18  }
0x8e: {  	[smem:$0x3FC6] =	sst s2  }
0x8f: {  	_ = 	snop  }
0x90: {  	s2 =	sld [smem:$0x3FC9]  }
0x91: {  	s19 =	sld [smem:$0x3FC8]  }
0x92: {  	s4 =	sld [smem:$0x3FD0];
	(tm) =	ssettm $0x1  }
0x93: {  	s5 =	sld [smem:$0x3FFB];
	_ =	sdelay $0x3  }
0x94: {  	_ =	strace s5  }
0x95: {  	s5 =	sld [smem:$0x3FFC];
	_ =	sdelay $0x3  }
0x96: {  	_ =	strace s5  }
0x97: {  	s5 =	sld [smem:$0x3FFD];
	_ =	sdelay $0x3  }
0x98: {  	_ =	strace s5  }
0x99: {  	_ =	strace $0x8FFFFFFF  }
0x9a: {  	s20 =	sld [smem:$0x3FDB];
	_ =	sdelay $0x1  }
0x9b: {  	s6 =	simm.s32 $_scs_section_size  }
0x9c: {  	s7 =	simm.s32 $_size__tile_overlayer_lowered;
	s8 =	simm.s32 $_tile_overlayer_lowered  }
0x9d: {  	s23 =	simm.s32 $0x1BFF;
	s22 =	sshll.u32 s8, $0x1;
	s5 =	sadd.s32 s6, s20  }
0x9e: {  	s9 =	simm.s32 $0x0;
	s21 =	sshll.u32 s7, $0x1;
	s7 =	sadd.s32 s22, s5  }
0x9f: {  	[timem:s9], [sflag:s23] =	dma.local [hbm:s7], s21  }
0xa0: {  	_ =	swait.ge [sflag:s23], s21  }
0xa1: {  	s6 =	ssub.s32 $0x0, s21;
	[sflag:s23] =	ssyncset.done $0x0  }
0xa2: {  	[sflag:s23] =	ssyncadd.s32 s6;
	_ =	sdelay $0x1  }
0xa3: {  	s24 =	simm.s32 $0x1B8B  }
0xa4: {  	_ =	swait.ge [sflag:s24], $0x1  }
0xa5: {  	[sflag:s24] =	ssyncset.done $0x0  }
0xa6: {  	s25 =	simm.s32 $0x1B8E;
	[sflag:s24] =	ssyncadd.s32 $0xFFFFFFFF  }
0xa7: {  	s26 =	simm.s32 $execute0_lowered;
	[smem:$0x3FD2] =	sst s25  }
0xa8: {  	s6 =	sshll.u32 s26, $0x1;
	_ =	strace $0x80000046;
	[dreg:$0x1] =	wrdreg $0xFFFFFFFF  }
0xa9: {  	s28 =	simm.s32 $_size_execute0_lowered;
	s5 =	sadd.s32 s5, s6;
	[dreg:$0x0] =	wrdreg $0x0  }
0xaa: {  	s6 =	sshll.u32 s28, $0x1;
	[dreg:$0x2] =	wrdreg s5  }
0xab: {  	[dreg:$0x3] =	wrdreg s6  }
0xac: {  	[dreg:$0x4] =	wrdreg $0xC0  }
0xad: {  	_ =	task [dreg:s9], $0x5FFFF  }
0xae: {  	[dreg:$0x1] =	wrdreg $0xFFFFFFFF  }
0xaf: {  	[dreg:$0x0] =	wrdreg $0x60  }
0xb0: {  	[dreg:$0x2] =	wrdreg s2  }
0xb1: {  	[dreg:$0x3] =	wrdreg s19  }
0xb2: {  	[dreg:$0x4] =	wrdreg s4  }
0xb3: {  	[dreg:$0x5] =	wrdreg $0x9  }
0xb4: {  	_ =	task.clear_ibuf [dreg:s9], $0x6FFFF;
	_ =	strace $0x90000046  }
0xb5: {  	s29 =	simm.s32 $0x9;
	_ =	strace $0x80000048  }
0xb6: {  	_ =	swait.ge [sflag:s29], $0x1  }
0xb7: {  	[sflag:s29] =	ssyncadd.s32 $0xFFFFFFFF  }
0xb8: {  	_ =	strace $0x90000048  }
0xb9: {  	_ =	sfence  }
0xba: {  	s30 =	sld [smem:$0x0];
	_ =	sdelay $0x2  }
0xbb: {  	s31 =	sshll.u32 s1, $0xD;
	s1 =	sshrl.u32 s1, $0x2  }
0xbc: {  	s3 =	sand.u32 $0x4000, s31;
	s1 =	sadd.s32 s1, s30  }
0xbd: {  	s0 =	sor.u32 s3, s0;
	s1 =	sshll.u32 s1, $0x11  }
0xbe: {  	s0 =	sor.u32 s1, s0  }
0xbf: {  	s0 =	sadd.s32 $0x8F2B, s0  }
0xc0: {  	[sflag:s0] =	ssyncadd.remote.s32 $0x1  }
0xc1: {  	_ =	sfence.sel $0xFFFF  }
0xc2: {  	[dreg:$0x0] =	wrdreg $0xFFFFFFFF;
	(pc) =	sbr.abs _section_cstart, $3  }
0xc3: {  	[dreg:$0x1] =	wrdreg $0xFFFFFFFF  }
0xc4: {  	_ =	task.clear_ibuf [dreg:s9], $0x2FFFF;
	_ =	strace $0x9FFFFFFF  }
0xc5: {  	(tm) =	ssettm $0x7FFFFFFF  }
tec
execute0_lowered:
.L_overlay_start_1:
0x0: {  	(tag) =	ssettag $0x1  }
0x1: {  	s0 =	rddreg [dreg:$0x0]  }
0x2: {  	s1 =	rddreg [dreg:$0x1];
	s2 =	srdreg.scid  }
0x3: {  	s3 =	rddreg [dreg:$0x2];
	s9 =	stileid.u32;
	s11 =	simm.s32 $0xB  }
0x4: {  	s28 =	simm.s32 $0x7;
	s29 =	simm.s32 $0x8;
	s30 =	simm.s32 $0x9  }
0x5: {  	s31 =	simm.s32 $0xA;
	s4 =	sand.u32 $0x1, s2;
	s2 =	simm.s32 $0x0  }
0x6: {  	s21 =	sshll.u32 s9, $0xA;
	s8 =	sshll.u32 s9, $0x2;
	s24 =	smul.u32 $0x30000, s9  }
0x7: {  	s5 =	ssub.s32 $0x2, s4;
	[smem:$0x7FF] =	sst s2;
	s22 =	sshll.u32 s4, $0x9  }
0x8: {  	s23 =	sand.u32 $0x30, s8;
	s25 =	smul.u32 $0x18000, s4;
	s6 =	sshrl.u32 s5, $0x1  }
0x9: {  	_ =	strace $0x80000047;
	s0 =	sadd.s32 s0, s23;
	s26 =	sadd.s32 s24, s3  }
0xa: {  	s23 =	simm.s32 $0x1CC00;
	s24 =	simm.s32 $0x1D400;
	s7 =	ssub.s32 s5, s6  }
0xb: {  	s5 =	sor.u32 s22, s21;
	s6 =	sadd.s32 $0x200, s1;
	s8 =	sadd.s32 s25, s26  }
0xc: {  	v2 =	vlaneseq.u32;
	s21 =	simm.s32 $0x1BC00;
	s22 =	simm.s32 $0x1C400;
	s25 =	simm.s32 $0x1DC00  }
0xd: {  	vm0 =	vmmov $0xffff;
	v1 =	vshrl.u32 v2, $0x3;
	s26 =	simm.s32 $0x6;
	s5 =	sand.u32 $0xE00, s5;
	s7 =	smax.u32 s7, $0x1  }
0xe: {  	v0 =	vand.u32 $0x7, v2;
	v2 =	vor.u32 $0x8, v2;
	v1 =	vmul.u32 $0x8, v1;
	s4 =	sadd.s32 s5, s0;
	s5 =	sadd.s32 $0x100, s1;
	s0 =	simm.s32 $0x0  }
.LBB2_1:
0xf: {  	s3 =	simm.s32 $0x80;
	s9 =	simm.s32 $0x200  }
0x10: {  	[tilespmem:s2], [sflag:$0xB] =	stream.strided.gather [hbm4b:s4+s3], $0x400, s9, s3, $0x38;
	[tilespmem:$0x1E400] =	vst v63  }
0x11: {  	_ =	swait.ge [sflag:s11], $0x400  }
0x12: {  	[sflag:s11] =	ssyncset.done $0x0  }
0x13: {  	[sflag:s11] =	ssyncadd.s32 $0xFFFFFC00  }
0x14: {  	v3 =	vld [tilespmem:$0x0];
	_ =	sdelay $0x4  }
0x15: {  	v4 =	vshrl.u32 v3, $0x3  }
0x16: {  	v4 =	vmul.u32 $0x30, v4  }
0x17: {  	v3 =	vand.u32 $0x7, v3  }
0x18: {  	v3 =	vor.u32 v3, v4  }
0x19: {  	v4 =	vperm.xlane v3, v0;
	_ =	sdelay $0x1  }
0x1a: {  	v4 =	vadd.s32 v1, v4;
	_ =	sdelay $0x3  }
0x1b: {  	s18 =	simm.s32 $0x400;
	v3 =	vperm.xlane v3, v2  }
0x1c: {  	[tilespmem:s18], [sflag:$0x1] =	stream.indirect_vreg.gather [hbm4b:s1+s2], $0x80, v4, vm0, $0xb8;
	[tilespmem:$0x1E400] =	vst v63  }
0x1d: {  	s19 =	simm.s32 $0xC00;
	v3 =	vadd.s32 v1, v3  }
0x1e: {  	[tilespmem:s19], [sflag:$0x1] =	stream.indirect_vreg.gather [hbm4b:s5+s2], $0x80, v4, vm0, $0xb8;
	[tilespmem:$0x1E400] =	vst v63  }
0x1f: {  	s20 =	simm.s32 $0x1400  }
0x20: {  	[tilespmem:s20], [sflag:$0x1] =	stream.indirect_vreg.gather [hbm4b:s6+s2], $0x80, v4, vm0, $0xb8;
	[tilespmem:$0x1E400] =	vst v63  }
0x21: {  	s9 =	simm.s32 $0x1C00  }
0x22: {  	[tilespmem:s9], [sflag:$0x1] =	stream.indirect_vreg.gather [hbm4b:s1+s2], $0x80, v3, vm0, $0xb8;
	[tilespmem:$0x1E400] =	vst v63  }
0x23: {  	s10 =	simm.s32 $0x2400  }
0x24: {  	[tilespmem:s10], [sflag:$0x1] =	stream.indirect_vreg.gather [hbm4b:s5+s2], $0x80, v3, vm0, $0xb8;
	[tilespmem:$0x1E400] =	vst v63  }
0x25: {  	s12 =	simm.s32 $0x2C00  }
0x26: {  	[tilespmem:s12], [sflag:$0x1] =	stream.indirect_vreg.gather [hbm4b:s6+s2], $0x80, v3, vm0, $0xb8;
	[tilespmem:$0x1E400] =	vst v63  }
0x27: {  	v3 =	vld [tilespmem:$0x10];
	_ =	sdelay $0x4  }
0x28: {  	v4 =	vshrl.u32 v3, $0x3  }
0x29: {  	v4 =	vmul.u32 $0x30, v4  }
0x2a: {  	v3 =	vand.u32 $0x7, v3  }
0x2b: {  	v3 =	vor.u32 v3, v4  }
0x2c: {  	v4 =	vperm.xlane v3, v0;
	_ =	sdelay $0x1  }
0x2d: {  	v4 =	vadd.s32 v1, v4;
	_ =	sdelay $0x3  }
0x2e: {  	s13 =	simm.s32 $0x3400;
	v3 =	vperm.xlane v3, v2  }
0x2f: {  	[tilespmem:s13], [sflag:$0x1] =	stream.indirect_vreg.gather [hbm4b:s1+s2], $0x80, v4, vm0, $0xb8;
	[tilespmem:$0x1E400] =	vst v63  }
0x30: {  	s14 =	simm.s32 $0x3C00;
	v3 =	vadd.s32 v1, v3  }
0x31: {  	[tilespmem:s14], [sflag:$0x1] =	stream.indirect_vreg.gather [hbm4b:s5+s2], $0x80, v4, vm0, $0xb8;
	[tilespmem:$0x1E400] =	vst v63  }
0x32: {  	s15 =	simm.s32 $0x4400  }
0x33: {  	[tilespmem:s15], [sflag:$0x1] =	stream.indirect_vreg.gather [hbm4b:s6+s2], $0x80, v4, vm0, $0xb8;
	[tilespmem:$0x1E400] =	vst v63  }
0x34: {  	s16 =	simm.s32 $0x4C00  }
0x35: {  	[tilespmem:s16], [sflag:$0x1] =	stream.indirect_vreg.gather [hbm4b:s1+s2], $0x80, v3, vm0, $0xb8;
	[tilespmem:$0x1E400] =	vst v63  }
0x36: {  	s17 =	simm.s32 $0x5400  }
0x37: {  	[tilespmem:s17], [sflag:$0x1] =	stream.indirect_vreg.gather [hbm4b:s5+s2], $0x80, v3, vm0, $0xb8;
	[tilespmem:$0x1E400] =	vst v63  }
0x38: {  	s18 =	simm.s32 $0x5C00  }
0x39: {  	[tilespmem:s18], [sflag:$0x1] =	stream.indirect_vreg.gather [hbm4b:s6+s2], $0x80, v3, vm0, $0xb8;
	[tilespmem:$0x1E400] =	vst v63  }
0x3a: {  	v3 =	vld [tilespmem:$0x20];
	_ =	sdelay $0x4  }
0x3b: {  	v4 =	vshrl.u32 v3, $0x3  }
0x3c: {  	v4 =	vmul.u32 $0x30, v4  }
0x3d: {  	v3 =	vand.u32 $0x7, v3  }
0x3e: {  	v3 =	vor.u32 v3, v4  }
0x3f: {  	v4 =	vperm.xlane v3, v0;
	_ =	sdelay $0x1  }
0x40: {  	v4 =	vadd.s32 v1, v4;
	_ =	sdelay $0x3  }
0x41: {  	s19 =	simm.s32 $0x6400;
	v3 =	vperm.xlane v3, v2  }
0x42: {  	[tilespmem:s19], [sflag:$0x2] =	stream.indirect_vreg.gather [hbm4b:s1+s2], $0x80, v4, vm0, $0xb8;
	[tilespmem:$0x1E400] =	vst v63  }
0x43: {  	s20 =	simm.s32 $0x6C00;
	v3 =	vadd.s32 v1, v3  }
0x44: {  	[tilespmem:s20], [sflag:$0x2] =	stream.indirect_vreg.gather [hbm4b:s5+s2], $0x80, v4, vm0, $0xb8;
	[tilespmem:$0x1E400] =	vst v63  }
0x45: {  	s9 =	simm.s32 $0x7400  }
0x46: {  	[tilespmem:s9], [sflag:$0x2] =	stream.indirect_vreg.gather [hbm4b:s6+s2], $0x80, v4, vm0, $0xb8;
	[tilespmem:$0x1E400] =	vst v63  }
0x47: {  	s10 =	simm.s32 $0x7C00  }
0x48: {  	[tilespmem:s10], [sflag:$0x2] =	stream.indirect_vreg.gather [hbm4b:s1+s2], $0x80, v3, vm0, $0xb8;
	[tilespmem:$0x1E400] =	vst v63  }
0x49: {  	s12 =	simm.s32 $0x8400  }
0x4a: {  	[tilespmem:s12], [sflag:$0x2] =	stream.indirect_vreg.gather [hbm4b:s5+s2], $0x80, v3, vm0, $0xb8;
	[tilespmem:$0x1E400] =	vst v63  }
0x4b: {  	s13 =	simm.s32 $0x8C00  }
0x4c: {  	[tilespmem:s13], [sflag:$0x2] =	stream.indirect_vreg.gather [hbm4b:s6+s2], $0x80, v3, vm0, $0xb8;
	[tilespmem:$0x1E400] =	vst v63  }
0x4d: {  	v3 =	vld [tilespmem:$0x30];
	_ =	sdelay $0x4  }
0x4e: {  	v4 =	vshrl.u32 v3, $0x3  }
0x4f: {  	v4 =	vmul.u32 $0x30, v4  }
0x50: {  	v3 =	vand.u32 $0x7, v3  }
0x51: {  	v3 =	vor.u32 v3, v4  }
0x52: {  	v4 =	vperm.xlane v3, v0;
	_ =	sdelay $0x1  }
0x53: {  	v4 =	vadd.s32 v1, v4;
	_ =	sdelay $0x3  }
0x54: {  	s14 =	simm.s32 $0x9400;
	v3 =	vperm.xlane v3, v2  }
0x55: {  	[tilespmem:s14], [sflag:$0x2] =	stream.indirect_vreg.gather [hbm4b:s1+s2], $0x80, v4, vm0, $0xb8;
	[tilespmem:$0x1E400] =	vst v63  }
0x56: {  	s15 =	simm.s32 $0x9C00;
	v3 =	vadd.s32 v1, v3  }
0x57: {  	[tilespmem:s15], [sflag:$0x2] =	stream.indirect_vreg.gather [hbm4b:s5+s2], $0x80, v4, vm0, $0xb8;
	[tilespmem:$0x1E400] =	vst v63  }
0x58: {  	s16 =	simm.s32 $0xA400  }
0x59: {  	[tilespmem:s16], [sflag:$0x2] =	stream.indirect_vreg.gather [hbm4b:s6+s2], $0x80, v4, vm0, $0xb8;
	[tilespmem:$0x1E400] =	vst v63  }
0x5a: {  	s17 =	simm.s32 $0xAC00  }
0x5b: {  	[tilespmem:s17], [sflag:$0x2] =	stream.indirect_vreg.gather [hbm4b:s1+s2], $0x80, v3, vm0, $0xb8;
	[tilespmem:$0x1E400] =	vst v63  }
0x5c: {  	s18 =	simm.s32 $0xB400  }
0x5d: {  	[tilespmem:s18], [sflag:$0x2] =	stream.indirect_vreg.gather [hbm4b:s5+s2], $0x80, v3, vm0, $0xb8;
	[tilespmem:$0x1E400] =	vst v63  }
0x5e: {  	s19 =	simm.s32 $0xBC00  }
0x5f: {  	[tilespmem:s19], [sflag:$0x2] =	stream.indirect_vreg.gather [hbm4b:s6+s2], $0x80, v3, vm0, $0xb8;
	[tilespmem:$0x1E400] =	vst v63  }
0x60: {  	v3 =	vld [tilespmem:$0x40];
	_ =	sdelay $0x4  }
0x61: {  	v4 =	vshrl.u32 v3, $0x3  }
0x62: {  	v4 =	vmul.u32 $0x30, v4  }
0x63: {  	v3 =	vand.u32 $0x7, v3  }
0x64: {  	v3 =	vor.u32 v3, v4  }
0x65: {  	v4 =	vperm.xlane v3, v0;
	_ =	sdelay $0x1  }
0x66: {  	v4 =	vadd.s32 v1, v4;
	_ =	sdelay $0x3  }
0x67: {  	s20 =	simm.s32 $0xC400;
	v3 =	vperm.xlane v3, v2  }
0x68: {  	[tilespmem:s20], [sflag:$0x3] =	stream.indirect_vreg.gather [hbm4b:s1+s2], $0x80, v4, vm0, $0xb8;
	[tilespmem:$0x1E400] =	vst v63  }
0x69: {  	s9 =	simm.s32 $0xCC00;
	v3 =	vadd.s32 v1, v3  }
0x6a: {  	[tilespmem:s9], [sflag:$0x3] =	stream.indirect_vreg.gather [hbm4b:s5+s2], $0x80, v4, vm0, $0xb8;
	[tilespmem:$0x1E400] =	vst v63  }
0x6b: {  	s10 =	simm.s32 $0xD400  }
0x6c: {  	[tilespmem:s10], [sflag:$0x3] =	stream.indirect_vreg.gather [hbm4b:s6+s2], $0x80, v4, vm0, $0xb8;
	[tilespmem:$0x1E400] =	vst v63  }
0x6d: {  	s12 =	simm.s32 $0xDC00  }
0x6e: {  	[tilespmem:s12], [sflag:$0x3] =	stream.indirect_vreg.gather [hbm4b:s1+s2], $0x80, v3, vm0, $0xb8;
	[tilespmem:$0x1E400] =	vst v63  }
0x6f: {  	s13 =	simm.s32 $0xE400  }
0x70: {  	[tilespmem:s13], [sflag:$0x3] =	stream.indirect_vreg.gather [hbm4b:s5+s2], $0x80, v3, vm0, $0xb8;
	[tilespmem:$0x1E400] =	vst v63  }
0x71: {  	s14 =	simm.s32 $0xEC00  }
0x72: {  	[tilespmem:s14], [sflag:$0x3] =	stream.indirect_vreg.gather [hbm4b:s6+s2], $0x80, v3, vm0, $0xb8;
	[tilespmem:$0x1E400] =	vst v63  }
0x73: {  	v3 =	vld [tilespmem:$0x50];
	_ =	sdelay $0x4  }
0x74: {  	v4 =	vshrl.u32 v3, $0x3  }
0x75: {  	v4 =	vmul.u32 $0x30, v4  }
0x76: {  	v3 =	vand.u32 $0x7, v3  }
0x77: {  	v3 =	vor.u32 v3, v4  }
0x78: {  	v4 =	vperm.xlane v3, v0;
	_ =	sdelay $0x1  }
0x79: {  	v4 =	vadd.s32 v1, v4;
	_ =	sdelay $0x3  }
0x7a: {  	s15 =	simm.s32 $0xF400;
	v3 =	vperm.xlane v3, v2  }
0x7b: {  	[tilespmem:s15], [sflag:$0x3] =	stream.indirect_vreg.gather [hbm4b:s1+s2], $0x80, v4, vm0, $0xb8;
	[tilespmem:$0x1E400] =	vst v63  }
0x7c: {  	s16 =	simm.s32 $0xFC00;
	v3 =	vadd.s32 v1, v3  }
0x7d: {  	[tilespmem:s16], [sflag:$0x3] =	stream.indirect_vreg.gather [hbm4b:s5+s2], $0x80, v4, vm0, $0xb8;
	[tilespmem:$0x1E400] =	vst v63  }
0x7e: {  	s17 =	simm.s32 $0x10400  }
0x7f: {  	[tilespmem:s17], [sflag:$0x3] =	stream.indirect_vreg.gather [hbm4b:s6+s2], $0x80, v4, vm0, $0xb8;
	[tilespmem:$0x1E400] =	vst v63  }
0x80: {  	s18 =	simm.s32 $0x10C00  }
0x81: {  	[tilespmem:s18], [sflag:$0x3] =	stream.indirect_vreg.gather [hbm4b:s1+s2], $0x80, v3, vm0, $0xb8;
	[tilespmem:$0x1E400] =	vst v63  }
0x82: {  	s19 =	simm.s32 $0x11400  }
0x83: {  	[tilespmem:s19], [sflag:$0x3] =	stream.indirect_vreg.gather [hbm4b:s5+s2], $0x80, v3, vm0, $0xb8;
	[tilespmem:$0x1E400] =	vst v63  }
0x84: {  	s20 =	simm.s32 $0x11C00  }
0x85: {  	[tilespmem:s20], [sflag:$0x3] =	stream.indirect_vreg.gather [hbm4b:s6+s2], $0x80, v3, vm0, $0xb8;
	[tilespmem:$0x1E400] =	vst v63  }
0x86: {  	v3 =	vld [tilespmem:$0x60];
	_ =	sdelay $0x4  }
0x87: {  	v4 =	vshrl.u32 v3, $0x3  }
0x88: {  	v4 =	vmul.u32 $0x30, v4  }
0x89: {  	v3 =	vand.u32 $0x7, v3  }
0x8a: {  	v3 =	vor.u32 v3, v4  }
0x8b: {  	v4 =	vperm.xlane v3, v0;
	_ =	sdelay $0x1  }
0x8c: {  	v4 =	vadd.s32 v1, v4;
	_ =	sdelay $0x3  }
0x8d: {  	s9 =	simm.s32 $0x12400;
	v3 =	vperm.xlane v3, v2  }
0x8e: {  	[tilespmem:s9], [sflag:$0x4] =	stream.indirect_vreg.gather [hbm4b:s1+s2], $0x80, v4, vm0, $0xb8;
	[tilespmem:$0x1E400] =	vst v63  }
0x8f: {  	s10 =	simm.s32 $0x12C00;
	v3 =	vadd.s32 v1, v3  }
0x90: {  	[tilespmem:s10], [sflag:$0x4] =	stream.indirect_vreg.gather [hbm4b:s5+s2], $0x80, v4, vm0, $0xb8;
	[tilespmem:$0x1E400] =	vst v63  }
0x91: {  	s12 =	simm.s32 $0x13400  }
0x92: {  	[tilespmem:s12], [sflag:$0x4] =	stream.indirect_vreg.gather [hbm4b:s6+s2], $0x80, v4, vm0, $0xb8;
	[tilespmem:$0x1E400] =	vst v63  }
0x93: {  	s13 =	simm.s32 $0x13C00  }
0x94: {  	[tilespmem:s13], [sflag:$0x4] =	stream.indirect_vreg.gather [hbm4b:s1+s2], $0x80, v3, vm0, $0xb8;
	[tilespmem:$0x1E400] =	vst v63  }
0x95: {  	s14 =	simm.s32 $0x14400  }
0x96: {  	[tilespmem:s14], [sflag:$0x4] =	stream.indirect_vreg.gather [hbm4b:s5+s2], $0x80, v3, vm0, $0xb8;
	[tilespmem:$0x1E400] =	vst v63  }
0x97: {  	s15 =	simm.s32 $0x14C00  }
0x98: {  	[tilespmem:s15], [sflag:$0x4] =	stream.indirect_vreg.gather [hbm4b:s6+s2], $0x80, v3, vm0, $0xb8;
	[tilespmem:$0x1E400] =	vst v63  }
0x99: {  	v3 =	vld [tilespmem:$0x70];
	_ =	sdelay $0x4  }
0x9a: {  	v4 =	vshrl.u32 v3, $0x3  }
0x9b: {  	v4 =	vmul.u32 $0x30, v4  }
0x9c: {  	v3 =	vand.u32 $0x7, v3  }
0x9d: {  	v3 =	vor.u32 v3, v4  }
0x9e: {  	v4 =	vperm.xlane v3, v0;
	_ =	sdelay $0x1  }
0x9f: {  	v4 =	vadd.s32 v1, v4;
	_ =	sdelay $0x3  }
0xa0: {  	s16 =	simm.s32 $0x15400;
	v3 =	vperm.xlane v3, v2  }
0xa1: {  	[tilespmem:s16], [sflag:$0x4] =	stream.indirect_vreg.gather [hbm4b:s1+s2], $0x80, v4, vm0, $0xb8;
	[tilespmem:$0x1E400] =	vst v63  }
0xa2: {  	s17 =	simm.s32 $0x15C00;
	v3 =	vadd.s32 v1, v3  }
0xa3: {  	[tilespmem:s17], [sflag:$0x4] =	stream.indirect_vreg.gather [hbm4b:s5+s2], $0x80, v4, vm0, $0xb8;
	[tilespmem:$0x1E400] =	vst v63  }
0xa4: {  	s18 =	simm.s32 $0x16400  }
0xa5: {  	[tilespmem:s18], [sflag:$0x4] =	stream.indirect_vreg.gather [hbm4b:s6+s2], $0x80, v4, vm0, $0xb8;
	[tilespmem:$0x1E400] =	vst v63  }
0xa6: {  	s19 =	simm.s32 $0x16C00  }
0xa7: {  	[tilespmem:s19], [sflag:$0x4] =	stream.indirect_vreg.gather [hbm4b:s1+s2], $0x80, v3, vm0, $0xb8;
	[tilespmem:$0x1E400] =	vst v63  }
0xa8: {  	s20 =	simm.s32 $0x17400  }
0xa9: {  	[tilespmem:s20], [sflag:$0x4] =	stream.indirect_vreg.gather [hbm4b:s5+s2], $0x80, v3, vm0, $0xb8;
	[tilespmem:$0x1E400] =	vst v63  }
0xaa: {  	s9 =	simm.s32 $0x17C00  }
0xab: {  	[tilespmem:s9], [sflag:$0x4] =	stream.indirect_vreg.gather [hbm4b:s6+s2], $0x80, v3, vm0, $0xb8;
	[tilespmem:$0x1E400] =	vst v63  }
0xac: {  	v3 =	vld [tilespmem:$0x80];
	_ =	sdelay $0x4  }
0xad: {  	v4 =	vshrl.u32 v3, $0x3  }
0xae: {  	v4 =	vmul.u32 $0x30, v4  }
0xaf: {  	v3 =	vand.u32 $0x7, v3  }
0xb0: {  	v3 =	vor.u32 v3, v4  }
0xb1: {  	v4 =	vperm.xlane v3, v0;
	_ =	sdelay $0x1  }
0xb2: {  	v4 =	vadd.s32 v1, v4;
	_ =	sdelay $0x3  }
0xb3: {  	s10 =	simm.s32 $0x18400;
	v3 =	vperm.xlane v3, v2  }
0xb4: {  	[tilespmem:s10], [sflag:$0x5] =	stream.indirect_vreg.gather [hbm4b:s1+s2], $0x80, v4, vm0, $0xb8;
	[tilespmem:$0x1E400] =	vst v63  }
0xb5: {  	s12 =	simm.s32 $0x18C00;
	v3 =	vadd.s32 v1, v3  }
0xb6: {  	[tilespmem:s12], [sflag:$0x5] =	stream.indirect_vreg.gather [hbm4b:s5+s2], $0x80, v4, vm0, $0xb8;
	[tilespmem:$0x1E400] =	vst v63  }
0xb7: {  	s13 =	simm.s32 $0x19400  }
0xb8: {  	[tilespmem:s13], [sflag:$0x5] =	stream.indirect_vreg.gather [hbm4b:s6+s2], $0x80, v4, vm0, $0xb8;
	[tilespmem:$0x1E400] =	vst v63  }
0xb9: {  	s14 =	simm.s32 $0x19C00  }
0xba: {  	[tilespmem:s14], [sflag:$0x5] =	stream.indirect_vreg.gather [hbm4b:s1+s2], $0x80, v3, vm0, $0xb8;
	[tilespmem:$0x1E400] =	vst v63  }
0xbb: {  	s15 =	simm.s32 $0x1A400  }
0xbc: {  	[tilespmem:s15], [sflag:$0x5] =	stream.indirect_vreg.gather [hbm4b:s5+s2], $0x80, v3, vm0, $0xb8;
	[tilespmem:$0x1E400] =	vst v63  }
0xbd: {  	s16 =	simm.s32 $0x1AC00  }
0xbe: {  	[tilespmem:s16], [sflag:$0x5] =	stream.indirect_vreg.gather [hbm4b:s6+s2], $0x80, v3, vm0, $0xb8;
	[tilespmem:$0x1E400] =	vst v63  }
0xbf: {  	v3 =	vld [tilespmem:$0x90];
	_ =	sdelay $0x4  }
0xc0: {  	v4 =	vshrl.u32 v3, $0x3  }
0xc1: {  	v4 =	vmul.u32 $0x30, v4  }
0xc2: {  	v3 =	vand.u32 $0x7, v3  }
0xc3: {  	v3 =	vor.u32 v3, v4  }
0xc4: {  	v4 =	vperm.xlane v3, v0;
	_ =	sdelay $0x1  }
0xc5: {  	v4 =	vadd.s32 v1, v4;
	_ =	sdelay $0x1  }
0xc6: {  	s18 =	smul.u32 $0xCD, s2;
	_ =	sdelay $0x1  }
0xc7: {  	s17 =	simm.s32 $0x1B400;
	s3 =	sshrl.u32 s18, $0xA;
	v3 =	vperm.xlane v3, v2  }
0xc8: {  	[tilespmem:s17], [sflag:$0x5] =	stream.indirect_vreg.gather [hbm4b:s1+s2], $0x80, v4, vm0, $0xb8;
	[tilespmem:$0x1E400] =	vst v63  }
0xc9: {  	s3 =	sand.u32 $0x3F, s3;
	v3 =	vadd.s32 v1, v3  }
0xca: {  	[tilespmem:s21], [sflag:$0x5] =	stream.indirect_vreg.gather [hbm4b:s5+s2], $0x80, v4, vm0, $0xb8;
	[tilespmem:$0x1E400] =	vst v63  }
0xcb: {  	s3 =	smul.u32 $0x5, s3  }
0xcc: {  	[tilespmem:s22], [sflag:$0x5] =	stream.indirect_vreg.gather [hbm4b:s6+s2], $0x80, v4, vm0, $0xb8;
	[tilespmem:$0x1E400] =	vst v63  }
0xcd: {  	s3 =	ssub.s32 $0x0, s3  }
0xce: {  	[tilespmem:s23], [sflag:$0x5] =	stream.indirect_vreg.gather [hbm4b:s1+s2], $0x80, v3, vm0, $0xb8;
	[tilespmem:$0x1E400] =	vst v63  }
0xcf: {  	s10 =	sand.u32 $0xFF, s3  }
0xd0: {  	[tilespmem:s24], [sflag:$0x5] =	stream.indirect_vreg.gather [hbm4b:s5+s2], $0x80, v3, vm0, $0xb8;
	[tilespmem:$0x1E400] =	vst v63  }
0xd1: {  	s19 =	smul.u32 $0x18000, s10;
	s3 =	sadd.s32 $0x1, s10  }
0xd2: {  	[tilespmem:s25], [sflag:$0x5] =	stream.indirect_vreg.gather [hbm4b:s6+s2], $0x80, v3, vm0, $0xb8;
	[tilespmem:$0x1E400] =	vst v63  }
0xd3: {  	_ =	swait.ge [sflag:s3], $0x6000  }
0xd4: {  	p0 =	por $0x0, $0x0;
	s9 =	sshrl.u32 s19, $0x2;
	[sflag:s3] =	ssyncset.done $0x0  }
0xd5: {  	s10 =	sadd.s32 $0x6, s10;
	s12 =	sor.u32 $0x400, s9;
	[sflag:s3] =	ssyncadd.s32 $0xFFFFA000  }
0xd6: {  	[hbm4b:s8+s2] =	stream.linear.scatter [tilespmem:s12], [sflag:s10], $0x6000, $0x38;
	[tilespmem:$0x1E400] =	vst v63  }
0xd7: {  	_ =	swait.ge @!p0 [sflag:s10], $0x6000  }
0xd8: {  	[sflag:s10] =	ssyncset.done @!p0 $0x0  }
0xd9: {  	s13 =	simm.s32 $0xB0;
	[sflag:s10] =	ssyncadd.s32 @!p0 $0xFFFFA000  }
0xda: {  	v3 =	vld @!p0 [tilespmem:s13+$0xFFFFFFF0];
	_ =	sdelay $0x4  }
0xdb: {  	v4 =	vshrl.u32 @!p0 v3, $0x3  }
0xdc: {  	v4 =	vmul.u32 @!p0 $0x30, v4  }
0xdd: {  	v5 =	vlaneseq.u32 @!p0;
	v3 =	vand.u32 @!p0 $0x7, v3  }
0xde: {  	v6 =	vshrl.u32 @!p0 v5, $0x3;
	v3 =	vor.u32 @!p0 v3, v4;
	v4 =	vand.u32 @!p0 $0x7, v5  }
0xdf: {  	v6 =	vmul.u32 @!p0 $0x8, v6;
	v7 =	vperm.xlane @!p0 v3, v4;
	_ =	sdelay $0x1  }
0xe0: {  	v7 =	vadd.s32 @!p0 v6, v7;
	_ =	sdelay $0x2  }
0xe1: {  	v5 =	vor.u32 @!p0 $0x8, v5  }
0xe2: {  	vm1 =	vmmov @!p0 $0xffff;
	s15 =	simm.s32 @!p0 $0x0;
	v3 =	vperm.xlane @!p0 v3, v5  }
0xe3: {  	[tilespmem:s12], [sflag:s3] =	stream.indirect_vreg.gather @!p0 [hbm4b:s1+s15], $0x80, v7, vm1, $0xb8;
	[tilespmem:$0x1E400] =	vst v63  }
0xe4: {  	s10 =	sadd.s32 @!p0 $0xC00, s9;
	v3 =	vadd.s32 @!p0 v6, v3  }
0xe5: {  	[tilespmem:s10], [sflag:s3] =	stream.indirect_vreg.gather @!p0 [hbm4b:s5+s15], $0x80, v7, vm1, $0xb8;
	[tilespmem:$0x1E400] =	vst v63  }
0xe6: {  	s10 =	sadd.s32 @!p0 $0x1400, s9  }
0xe7: {  	[tilespmem:s10], [sflag:s3] =	stream.indirect_vreg.gather @!p0 [hbm4b:s6+s15], $0x80, v7, vm1, $0xb8;
	[tilespmem:$0x1E400] =	vst v63  }
0xe8: {  	s10 =	sadd.s32 @!p0 $0x1C00, s9  }
0xe9: {  	[tilespmem:s10], [sflag:s3] =	stream.indirect_vreg.gather @!p0 [hbm4b:s1+s15], $0x80, v3, vm1, $0xb8;
	[tilespmem:$0x1E400] =	vst v63  }
0xea: {  	s10 =	sadd.s32 @!p0 $0x2400, s9  }
0xeb: {  	[tilespmem:s10], [sflag:s3] =	stream.indirect_vreg.gather @!p0 [hbm4b:s5+s15], $0x80, v3, vm1, $0xb8;
	[tilespmem:$0x1E400] =	vst v63  }
0xec: {  	s10 =	sadd.s32 @!p0 $0x2C00, s9  }
0xed: {  	[tilespmem:s10], [sflag:s3] =	stream.indirect_vreg.gather @!p0 [hbm4b:s6+s15], $0x80, v3, vm1, $0xb8;
	[tilespmem:$0x1E400] =	vst v63  }
0xee: {  	v3 =	vld @!p0 [tilespmem:s13+$0x0];
	_ =	sdelay $0x4  }
0xef: {  	v7 =	vshrl.u32 @!p0 v3, $0x3  }
0xf0: {  	v7 =	vmul.u32 @!p0 $0x30, v7  }
0xf1: {  	v3 =	vand.u32 @!p0 $0x7, v3  }
0xf2: {  	v3 =	vor.u32 @!p0 v3, v7  }
0xf3: {  	v4 =	vperm.xlane @!p0 v3, v4;
	_ =	sdelay $0x1  }
0xf4: {  	s12 =	simm.s32 $0x1;
	v4 =	vadd.s32 @!p0 v6, v4  }
0xf5: {  	s20 =	smul.u32 $0xCD, s12;
	_ =	sdelay $0x1  }
0xf6: {  	s14 =	simm.s32 $0x2;
	s10 =	sshrl.u32 s20, $0xA  }
0xf7: {  	s17 =	sadd.s32 @!p0 $0x3C00, s9;
	s13 =	sadd.s32 @!p0 $0x3400, s9;
	s10 =	sand.u32 $0x3F, s10;
	v3 =	vperm.xlane @!p0 v3, v5  }
0xf8: {  	[tilespmem:s13], [sflag:s3] =	stream.indirect_vreg.gather @!p0 [hbm4b:s1+s15], $0x80, v4, vm1, $0xb8;
	[tilespmem:$0x1E400] =	vst v63  }
0xf9: {  	s16 =	smul.u32 $0x5, s10;
	s10 =	simm.s32 $0xD0;
	v3 =	vadd.s32 @!p0 v6, v3;
	s13 =	sadd.s32 $0xC00, s8  }
.LBB2_2:
0xfa: {  	[tilespmem:s17], [sflag:s3] =	stream.indirect_vreg.gather @!p0 [hbm4b:s5+s15], $0x80, v4, vm1, $0xb8;
	[tilespmem:$0x1E400] =	vst v63  }
0xfb: {  	s17 =	smov.u32 s14  }
0xfc: {  	s14 =	sadd.s32 $0x1, s14;
	s18 =	sadd.s32 @!p0 $0x4400, s9;
	s16 =	ssub.s32 s12, s16  }
0xfd: {  	[tilespmem:s18], [sflag:s3] =	stream.indirect_vreg.gather @!p0 [hbm4b:s6+s15], $0x80, v4, vm1, $0xb8;
	[tilespmem:$0x1E400] =	vst v63  }
0xfe: {  	p1 =	sne.s32 s14, $0x20;
	s18 =	sadd.s32 @!p0 $0x4C00, s9  }
0xff: {  	[tilespmem:s18], [sflag:s3] =	stream.indirect_vreg.gather @!p0 [hbm4b:s1+s15], $0x80, v3, vm1, $0xb8;
	[tilespmem:$0x1E400] =	vst v63  }
0x100: {  	s16 =	sand.u32 $0xFF, s16;
	s18 =	sadd.s32 @!p0 $0x5400, s9  }
0x101: {  	s20 =	sadd.s32 @!p0 $0x5C00, s9;
	s19 =	smul.u32 $0x18000, s16  }
0x102: {  	[tilespmem:s18], [sflag:s3] =	stream.indirect_vreg.gather @!p0 [hbm4b:s5+s15], $0x80, v3, vm1, $0xb8;
	[tilespmem:$0x1E400] =	vst v63  }
0x103: {  	s9 =	sshrl.u32 s19, $0x2;
	s18 =	sadd.s32 $0x1, s16  }
0x104: {  	[tilespmem:s20], [sflag:s3] =	stream.indirect_vreg.gather @!p0 [hbm4b:s6+s15], $0x80, v3, vm1, $0xb8;
	[tilespmem:$0x1E400] =	vst v63  }
0x105: {  	s3 =	smov.u32 s18;
	_ =	swait.ge [sflag:s18], $0x6000  }
0x106: {  	p0 =	sgt.u32 s12, $0x1A;
	s12 =	smov.u32 s17;
	[sflag:s3] =	ssyncset.done $0x0  }
0x107: {  	s17 =	sor.u32 $0x400, s9;
	s15 =	sadd.s32 $0x6, s16;
	v3 =	vlaneseq.u32 @!p0;
	[sflag:s3] =	ssyncadd.s32 $0xFFFFA000  }
0x108: {  	v4 =	vshrl.u32 @!p0 v3, $0x3;
	[hbm4b:s13+s2] =	stream.linear.scatter [tilespmem:s17], [sflag:s15], $0x6000, $0x38;
	[tilespmem:$0x1E400] =	vst v63  }
0x109: {  	_ =	swait.ge @!p0 [sflag:s15], $0x6000  }
0x10a: {  	[sflag:s15] =	ssyncset.done @!p0 $0x0  }
0x10b: {  	[sflag:s15] =	ssyncadd.s32 @!p0 $0xFFFFA000  }
0x10c: {  	v5 =	vld @!p0 [tilespmem:s10+$0xFFFFFFF0];
	_ =	sdelay $0x4  }
0x10d: {  	v6 =	vshrl.u32 @!p0 v5, $0x3  }
0x10e: {  	v6 =	vmul.u32 @!p0 $0x30, v6  }
0x10f: {  	v5 =	vand.u32 @!p0 $0x7, v5  }
0x110: {  	v5 =	vor.u32 @!p0 v5, v6;
	v6 =	vand.u32 @!p0 $0x7, v3;
	v3 =	vor.u32 @!p0 $0x8, v3  }
0x111: {  	v8 =	vmul.u32 @!p0 $0x8, v4;
	v7 =	vperm.xlane @!p0 v5, v6;
	v4 =	vperm.xlane @!p0 v5, v3;
	_ =	sdelay $0x1  }
0x112: {  	v5 =	vadd.s32 @!p0 v8, v7;
	_ =	sdelay $0x3  }
0x113: {  	vm1 =	vmmov @!p0 $0xffff;
	s15 =	simm.s32 @!p0 $0x0  }
0x114: {  	[tilespmem:s17], [sflag:s3] =	stream.indirect_vreg.gather @!p0 [hbm4b:s1+s15], $0x80, v5, vm1, $0xb8;
	[tilespmem:$0x1E400] =	vst v63  }
0x115: {  	s16 =	sadd.s32 @!p0 $0xC00, s9;
	v4 =	vadd.s32 @!p0 v8, v4  }
0x116: {  	[tilespmem:s16], [sflag:s3] =	stream.indirect_vreg.gather @!p0 [hbm4b:s5+s15], $0x80, v5, vm1, $0xb8;
	[tilespmem:$0x1E400] =	vst v63  }
0x117: {  	s16 =	sadd.s32 @!p0 $0x1400, s9  }
0x118: {  	[tilespmem:s16], [sflag:s3] =	stream.indirect_vreg.gather @!p0 [hbm4b:s6+s15], $0x80, v5, vm1, $0xb8;
	[tilespmem:$0x1E400] =	vst v63  }
0x119: {  	s16 =	sadd.s32 @!p0 $0x1C00, s9  }
0x11a: {  	[tilespmem:s16], [sflag:s3] =	stream.indirect_vreg.gather @!p0 [hbm4b:s1+s15], $0x80, v4, vm1, $0xb8;
	[tilespmem:$0x1E400] =	vst v63  }
0x11b: {  	s16 =	sadd.s32 @!p0 $0x2400, s9  }
0x11c: {  	[tilespmem:s16], [sflag:s3] =	stream.indirect_vreg.gather @!p0 [hbm4b:s5+s15], $0x80, v4, vm1, $0xb8;
	[tilespmem:$0x1E400] =	vst v63  }
0x11d: {  	s16 =	sadd.s32 @!p0 $0x2C00, s9  }
0x11e: {  	[tilespmem:s16], [sflag:s3] =	stream.indirect_vreg.gather @!p0 [hbm4b:s6+s15], $0x80, v4, vm1, $0xb8;
	[tilespmem:$0x1E400] =	vst v63  }
0x11f: {  	v4 =	vld @!p0 [tilespmem:s10+$0x0];
	_ =	sdelay $0x4  }
0x120: {  	v5 =	vshrl.u32 @!p0 v4, $0x3  }
0x121: {  	v5 =	vmul.u32 @!p0 $0x30, v5  }
0x122: {  	v4 =	vand.u32 @!p0 $0x7, v4  }
0x123: {  	v4 =	vor.u32 @!p0 v4, v5  }
0x124: {  	v5 =	vperm.xlane @!p0 v4, v6;
	v3 =	vperm.xlane @!p0 v4, v3;
	_ =	sdelay $0x1  }
0x125: {  	v4 =	vadd.s32 @!p0 v8, v5  }
0x126: {  	s16 =	smul.u32 $0xCD, s12  }
.Ltmp0:
0x127: {  	(pc) =	sbr.rel @p1 .LBB2_2-.Ltmp0, $4  }
0x128: {  	s16 =	sshrl.u32 s16, $0xA  }
0x129: {  	s13 =	sadd.s32 $0xC00, s13;
	s17 =	sadd.s32 @!p0 $0x3400, s9;
	s16 =	sand.u32 $0x3F, s16  }
0x12a: {  	[tilespmem:s17], [sflag:s3] =	stream.indirect_vreg.gather @!p0 [hbm4b:s1+s15], $0x80, v4, vm1, $0xb8;
	[tilespmem:$0x1E400] =	vst v63  }
0x12b: {  	s10 =	sadd.s32 $0x20, s10;
	s16 =	smul.u32 $0x5, s16;
	v3 =	vadd.s32 @!p0 v8, v3;
	s17 =	sadd.s32 @!p0 $0x3C00, s9  }
0x12c: {  	_ =	sdelay $0x3  }
0x12d: {  	[tilespmem:s17], [sflag:s3] =	stream.indirect_vreg.gather @!p0 [hbm4b:s5+s15], $0x80, v4, vm1, $0xb8;
	[tilespmem:$0x1E400] =	vst v63  }
0x12e: {  	s14 =	sadd.s32 @!p0 $0x4400, s9  }
0x12f: {  	[tilespmem:s14], [sflag:s3] =	stream.indirect_vreg.gather @!p0 [hbm4b:s6+s15], $0x80, v4, vm1, $0xb8;
	[tilespmem:$0x1E400] =	vst v63  }
0x130: {  	s19 =	ssub.s32 s12, s16;
	s16 =	sadd.s32 @!p0 $0x4C00, s9  }
0x131: {  	[tilespmem:s16], [sflag:s3] =	stream.indirect_vreg.gather @!p0 [hbm4b:s1+s15], $0x80, v3, vm1, $0xb8;
	[tilespmem:$0x1E400] =	vst v63  }
0x132: {  	s14 =	sand.u32 $0xFF, s19;
	s16 =	sadd.s32 @!p0 $0x5400, s9  }
0x133: {  	[tilespmem:s16], [sflag:s3] =	stream.indirect_vreg.gather @!p0 [hbm4b:s5+s15], $0x80, v3, vm1, $0xb8;
	[tilespmem:$0x1E400] =	vst v63  }
0x134: {  	s20 =	smul.u32 $0x18000, s14;
	s17 =	sadd.s32 $0x1, s14;
	s9 =	sadd.s32 @!p0 $0x5C00, s9  }
0x135: {  	[tilespmem:s9], [sflag:s3] =	stream.indirect_vreg.gather @!p0 [hbm4b:s6+s15], $0x80, v3, vm1, $0xb8;
	[tilespmem:$0x1E400] =	vst v63  }
0x136: {  	_ =	swait.ge [sflag:s17], $0x6000  }
0x137: {  	s3 =	sshrl.u32 s20, $0x2;
	p0 =	sgt.u32 s12, $0x1A;
	[sflag:s17] =	ssyncset.done $0x0  }
0x138: {  	s12 =	sadd.s32 $0x6, s14;
	s9 =	sor.u32 $0x400, s3;
	[sflag:s17] =	ssyncadd.s32 $0xFFFFA000  }
0x139: {  	[hbm4b:s13+s2] =	stream.linear.scatter [tilespmem:s9], [sflag:s12], $0x6000, $0x38;
	[tilespmem:$0x1E400] =	vst v63  }
0x13a: {  	_ =	swait.ge @!p0 [sflag:s12], $0x6000  }
0x13b: {  	[sflag:s12] =	ssyncset.done @!p0 $0x0  }
0x13c: {  	[sflag:s12] =	ssyncadd.s32 @!p0 $0xFFFFA000  }
0x13d: {  	v3 =	vld @!p0 [tilespmem:s10+$0xFFFFFFF0];
	_ =	sdelay $0x4  }
0x13e: {  	v4 =	vshrl.u32 @!p0 v3, $0x3  }
0x13f: {  	v4 =	vmul.u32 @!p0 $0x30, v4  }
0x140: {  	v5 =	vlaneseq.u32 @!p0;
	v3 =	vand.u32 @!p0 $0x7, v3  }
0x141: {  	v6 =	vshrl.u32 @!p0 v5, $0x3;
	v3 =	vor.u32 @!p0 v3, v4;
	v4 =	vand.u32 @!p0 $0x7, v5  }
0x142: {  	v6 =	vmul.u32 @!p0 $0x8, v6;
	v7 =	vperm.xlane @!p0 v3, v4;
	_ =	sdelay $0x1  }
0x143: {  	v7 =	vadd.s32 @!p0 v6, v7;
	_ =	sdelay $0x2  }
0x144: {  	v5 =	vor.u32 @!p0 $0x8, v5  }
0x145: {  	vm1 =	vmmov @!p0 $0xffff;
	s12 =	simm.s32 @!p0 $0x0;
	v3 =	vperm.xlane @!p0 v3, v5  }
0x146: {  	[tilespmem:s9], [sflag:s17] =	stream.indirect_vreg.gather @!p0 [hbm4b:s1+s12], $0x80, v7, vm1, $0xb8;
	[tilespmem:$0x1E400] =	vst v63  }
0x147: {  	v3 =	vadd.s32 @!p0 v6, v3;
	s9 =	sadd.s32 @!p0 $0xC00, s3  }
0x148: {  	[tilespmem:s9], [sflag:s17] =	stream.indirect_vreg.gather @!p0 [hbm4b:s5+s12], $0x80, v7, vm1, $0xb8;
	[tilespmem:$0x1E400] =	vst v63  }
0x149: {  	s9 =	sadd.s32 @!p0 $0x1400, s3  }
0x14a: {  	[tilespmem:s9], [sflag:s17] =	stream.indirect_vreg.gather @!p0 [hbm4b:s6+s12], $0x80, v7, vm1, $0xb8;
	[tilespmem:$0x1E400] =	vst v63  }
0x14b: {  	s9 =	sadd.s32 @!p0 $0x1C00, s3  }
0x14c: {  	[tilespmem:s9], [sflag:s17] =	stream.indirect_vreg.gather @!p0 [hbm4b:s1+s12], $0x80, v3, vm1, $0xb8;
	[tilespmem:$0x1E400] =	vst v63  }
0x14d: {  	s9 =	sadd.s32 @!p0 $0x2400, s3  }
0x14e: {  	[tilespmem:s9], [sflag:s17] =	stream.indirect_vreg.gather @!p0 [hbm4b:s5+s12], $0x80, v3, vm1, $0xb8;
	[tilespmem:$0x1E400] =	vst v63  }
0x14f: {  	s9 =	sadd.s32 @!p0 $0x2C00, s3  }
0x150: {  	[tilespmem:s9], [sflag:s17] =	stream.indirect_vreg.gather @!p0 [hbm4b:s6+s12], $0x80, v3, vm1, $0xb8;
	[tilespmem:$0x1E400] =	vst v63  }
0x151: {  	v3 =	vld @!p0 [tilespmem:s10+$0x0];
	_ =	sdelay $0x4  }
0x152: {  	v7 =	vshrl.u32 @!p0 v3, $0x3  }
0x153: {  	v7 =	vmul.u32 @!p0 $0x30, v7  }
0x154: {  	v3 =	vand.u32 @!p0 $0x7, v3  }
0x155: {  	v3 =	vor.u32 @!p0 v3, v7  }
0x156: {  	v4 =	vperm.xlane @!p0 v3, v4;
	_ =	sdelay $0x1  }
0x157: {  	v4 =	vadd.s32 @!p0 v6, v4;
	_ =	sdelay $0x3  }
0x158: {  	s9 =	sadd.s32 @!p0 $0x3400, s3;
	v3 =	vperm.xlane @!p0 v3, v5  }
0x159: {  	[tilespmem:s9], [sflag:s17] =	stream.indirect_vreg.gather @!p0 [hbm4b:s1+s12], $0x80, v4, vm1, $0xb8;
	[tilespmem:$0x1E400] =	vst v63  }
0x15a: {  	v3 =	vadd.s32 @!p0 v6, v3;
	s9 =	sadd.s32 @!p0 $0x3C00, s3  }
0x15b: {  	[tilespmem:s9], [sflag:s17] =	stream.indirect_vreg.gather @!p0 [hbm4b:s5+s12], $0x80, v4, vm1, $0xb8;
	[tilespmem:$0x1E400] =	vst v63  }
0x15c: {  	s9 =	sadd.s32 @!p0 $0x4400, s3  }
0x15d: {  	[tilespmem:s9], [sflag:s17] =	stream.indirect_vreg.gather @!p0 [hbm4b:s6+s12], $0x80, v4, vm1, $0xb8;
	[tilespmem:$0x1E400] =	vst v63  }
0x15e: {  	s9 =	sadd.s32 @!p0 $0x4C00, s3  }
0x15f: {  	[tilespmem:s9], [sflag:s17] =	stream.indirect_vreg.gather @!p0 [hbm4b:s1+s12], $0x80, v3, vm1, $0xb8;
	[tilespmem:$0x1E400] =	vst v63  }
0x160: {  	s9 =	sadd.s32 @!p0 $0x5400, s3  }
0x161: {  	[tilespmem:s9], [sflag:s17] =	stream.indirect_vreg.gather @!p0 [hbm4b:s5+s12], $0x80, v3, vm1, $0xb8;
	[tilespmem:$0x1E400] =	vst v63  }
0x162: {  	s3 =	sadd.s32 @!p0 $0x5C00, s3  }
0x163: {  	[tilespmem:s3], [sflag:s17] =	stream.indirect_vreg.gather @!p0 [hbm4b:s6+s12], $0x80, v3, vm1, $0xb8;
	[tilespmem:$0x1E400] =	vst v63  }
0x164: {  	_ =	swait.ge [sflag:s26], $0x6000  }
0x165: {  	[sflag:s26] =	ssyncset.done $0x0  }
0x166: {  	[sflag:s26] =	ssyncadd.s32 $0xFFFFA000  }
0x167: {  	_ =	swait.ge [sflag:s28], $0x6000  }
0x168: {  	[sflag:s28] =	ssyncset.done $0x0  }
0x169: {  	[sflag:s28] =	ssyncadd.s32 $0xFFFFA000  }
0x16a: {  	_ =	swait.ge [sflag:s29], $0x6000  }
0x16b: {  	[sflag:s29] =	ssyncset.done $0x0  }
0x16c: {  	s0 =	sadd.s32 $0x1, s0;
	[sflag:s29] =	ssyncadd.s32 $0xFFFFA000  }
0x16d: {  	p0 =	sne.s32 s0, s7;
	_ =	swait.ge [sflag:s30], $0x6000  }
.Ltmp1:
0x16e: {  	[sflag:s30] =	ssyncset.done $0x0;
	(pc) =	sbr.rel @p0 .LBB2_1-.Ltmp1, $4  }
0x16f: {  	[sflag:s30] =	ssyncadd.s32 $0xFFFFA000  }
0x170: {  	_ =	swait.ge [sflag:s31], $0x6000  }
0x171: {  	[sflag:s31] =	ssyncset.done $0x0  }
0x172: {  	[sflag:s31] =	ssyncadd.s32 $0xFFFFA000  }
0x173: {  	_ =	sfence.sel $0x180000  }
0x174: {  	[bflag:$0x0] =	sbarrier.arrive $0xFFFF  }
0x175: {  	_ =	strace $0x90000047  }
0x176: {  	s0 =	stileid.u32;
	[bflag:$0x2] =	sbarrier.arrive $0xFFFF  }
0x177: {  	p0 =	sne.s32 s0, $0x0;
	s0 =	rddreg [dreg:$0x3]  }
0x178: {  	s0 =	sadd.s32 @!p0 $0x100000, s0  }
0x179: {  	[sflag:s0] =	ssyncadd.tile.s32 @!p0 $0x1;
	_ =	shalt  }
.Lfunc_end2:
_tile_overlayer_lowered:
.L_overlay_start_2:
0x17a: {  	(tag) =	ssettag $0x2  }
0x17b: {  	s0 =	rddreg [dreg:$0x0];
	s2 =	stileid.u32  }
0x17c: {  	s1 =	rddreg [dreg:$0x1];
	p0 =	sne.s32 s2, $0x0  }
0x17d: {  	s3 =	rddreg [dreg:$0x2];
	[bflag:$0x3] =	sbarrier.arrive $0xFFFF;
	s2 =	simm.s32 @!p0 $0x1C0B  }
0x17e: {  	[timem:s3], [sflag:s2] =	dma.local @!p0 [hbm:s0], s1  }
0x17f: {  	s0 =	simm.s32 @!p0 $0xB  }
0x180: {  	_ =	swait.ge @!p0 [sflag:s0], s1  }
0x181: {  	s1 =	ssub.s32 @!p0 $0x0, s1;
	[sflag:s0] =	ssyncset.done @!p0 $0x0  }
0x182: {  	[sflag:s0] =	ssyncadd.s32 @!p0 s1  }
0x183: {  	[bflag:$0x3] =	sbarrier.arrive $0xFFFF  }
0x184: {  	_ =	shalt  }

</sc_bundles>
